<compile_context>
chip_gen: v7x
topology: tpu7x:2x2x1
jax: 0.10.2.dev20260603
libtpu: 0.0.44.dev20260713+nightly
codegen_flags: <defaults>
</compile_context>

<pallas_src>
import functools

import jax
import jax.numpy as jnp
from jax import lax
from jax.experimental import pallas as pl
from jax.experimental.pallas import tpu as pltpu
from jax.experimental.pallas import tpu_sc as plsc

N = 10000
E = 320000
F = 128
NC, NS = 2, 16
NW = NC * NS
EW = E // NW
CH = 100
NCH = EW // CH
RPT = N // NS
RZB = 125


def _hist_body(dst_hbm, out_hbm, dstv, hist):
    c = lax.axis_index("c")
    s = lax.axis_index("s")
    wid = c * NS + s
    pltpu.sync_copy(dst_hbm.at[wid], dstv)
    zeros = jnp.zeros((16,), jnp.float32)
    ones = jnp.full((16,), 1.0, jnp.float32)

    def zero_body(i, carry):
        hist[pl.ds(i * 16, 16)] = zeros
        return carry

    lax.fori_loop(0, N // 16, zero_body, 0)

    def add_body(i, carry):
        idx = dstv[pl.ds(i * 16, 16)]
        plsc.addupdate_scatter(hist, [idx], ones)
        return carry

    lax.fori_loop(0, EW // 16, add_body, 0)
    pltpu.sync_copy(hist, out_hbm.at[wid])


@functools.cache
def _hist_call():
    mesh = plsc.VectorSubcoreMesh(core_axis_name="c", subcore_axis_name="s",
                                  num_cores=NC, num_subcores=NS)
    return pl.kernel(
        _hist_body,
        out_type=jax.ShapeDtypeStruct((NW, N), jnp.float32),
        mesh=mesh,
        compiler_params=pltpu.CompilerParams(needs_layout_passes=False,
                                             use_tc_tiling_on_sc=False),
        scratch_types=[
            pltpu.VMEM((EW,), jnp.int32),
            pltpu.VMEM((N,), jnp.float32),
        ],
    )



def _agg_body(ei_hbm, hs_hbm, out_hbm, srcv, dstv, rows, zbuf, acc, sem):
    c = lax.axis_index("c")
    s = lax.axis_index("s")
    wid = c * NS + s
    pltpu.sync_copy(ei_hbm.at[0, wid], srcv)
    pltpu.sync_copy(ei_hbm.at[1, wid], dstv)

    zeros = jnp.zeros((16,), jnp.float32)

    def zb_body(r, carry):
        for k in range(F // 16):
            zbuf[r, pl.ds(k * 16, 16)] = zeros
        return carry

    lax.fori_loop(0, RZB, zb_body, 0)
    for i in range(RPT // RZB):
        pltpu.sync_copy(zbuf, acc.at[pl.ds(s * RPT + i * RZB, RZB)])
    plsc.subcore_barrier()

    def chunk_body(j, carry):
        pltpu.async_copy(hs_hbm.at[srcv.at[j]], rows, sem).wait()
        pltpu.sync_copy(rows, acc.at[dstv.at[j]], add=True)
        return carry

    lax.fori_loop(0, NCH, chunk_body, 0)
    plsc.subcore_barrier()
    pltpu.sync_copy(acc.at[pl.ds(s * RPT, RPT)],
                    out_hbm.at[c, pl.ds(s * RPT, RPT)])


@functools.cache
def _agg_call():
    mesh = plsc.VectorSubcoreMesh(core_axis_name="c", subcore_axis_name="s",
                                  num_cores=NC, num_subcores=NS)
    return pl.kernel(
        _agg_body,
        out_type=jax.ShapeDtypeStruct((NC, N, F), jnp.float32),
        mesh=mesh,
        compiler_params=pltpu.CompilerParams(needs_layout_passes=False,
                                             use_tc_tiling_on_sc=False),
        scratch_types=[
            pltpu.VMEM((NCH, CH), jnp.int32),
            pltpu.VMEM((NCH, CH), jnp.int32),
            pltpu.VMEM((CH, F), jnp.float32),
            pltpu.VMEM((RZB, F), jnp.float32),
            pltpu.VMEM_SHARED((N, F), jnp.float32),
            pltpu.SemaphoreType.DMA,
        ],
    )



RB = 1000
GRID = N // RB


def _dinv_body(hist_ref, o_ref):
    deg = 1.0 + jnp.sum(hist_ref[...], axis=0)
    o_ref[...] = lax.rsqrt(deg)[:, None]


_dinv_call = pl.pallas_call(
    _dinv_body,
    out_shape=jax.ShapeDtypeStruct((N, 1), jnp.float32),
)


def _mm1_body(x_ref, w_ref, dinv_ref, o_ref):
    h = jnp.dot(x_ref[...], w_ref[...], preferred_element_type=jnp.float32)
    o_ref[...] = h * dinv_ref[...]


_mm1 = pl.pallas_call(
    _mm1_body,
    grid=(GRID,),
    in_specs=[
        pl.BlockSpec((RB, F), lambda i: (i, 0)),
        pl.BlockSpec((F, F), lambda i: (0, 0)),
        pl.BlockSpec((RB, 1), lambda i: (i, 0)),
    ],
    out_specs=pl.BlockSpec((RB, F), lambda i: (i, 0)),
    out_shape=jax.ShapeDtypeStruct((N, F), jnp.float32),
)


def _mm2_body(p_ref, hs_ref, dinv_ref, b_ref, w_ref, o_ref):
    dinv = dinv_ref[...]
    agg = hs_ref[...] + p_ref[0] + p_ref[1]
    h2 = jnp.maximum(agg * dinv + b_ref[...], 0.0)
    h2w = jnp.dot(h2, w_ref[...], preferred_element_type=jnp.float32)
    o_ref[...] = h2w * dinv


_mm2 = pl.pallas_call(
    _mm2_body,
    grid=(GRID,),
    in_specs=[
        pl.BlockSpec((NC, RB, F), lambda i: (0, i, 0)),
        pl.BlockSpec((RB, F), lambda i: (i, 0)),
        pl.BlockSpec((RB, 1), lambda i: (i, 0)),
        pl.BlockSpec((1, F), lambda i: (0, 0)),
        pl.BlockSpec((F, F), lambda i: (0, 0)),
    ],
    out_specs=pl.BlockSpec((RB, F), lambda i: (i, 0)),
    out_shape=jax.ShapeDtypeStruct((N, F), jnp.float32),
)


def _mm3_body(p_ref, hs_ref, dinv_ref, b_ref, w_ref, bfc_ref, o_ref):
    agg = hs_ref[...] + p_ref[0] + p_ref[1]
    h3 = agg * dinv_ref[...] + b_ref[...]
    o_ref[...] = (jnp.dot(h3, w_ref[...], preferred_element_type=jnp.float32)
                  + bfc_ref[...])


_mm3 = pl.pallas_call(
    _mm3_body,
    grid=(GRID,),
    in_specs=[
        pl.BlockSpec((NC, RB, F), lambda i: (0, i, 0)),
        pl.BlockSpec((RB, F), lambda i: (i, 0)),
        pl.BlockSpec((RB, 1), lambda i: (i, 0)),
        pl.BlockSpec((1, F), lambda i: (0, 0)),
        pl.BlockSpec((F, F), lambda i: (0, 0)),
        pl.BlockSpec((1, F), lambda i: (0, 0)),
    ],
    out_specs=pl.BlockSpec((RB, F), lambda i: (i, 0)),
    out_shape=jax.ShapeDtypeStruct((N, F), jnp.float32),
)


def kernel(x, edge_index, W1, b1, W2, b2, Wfc, bfc):
    ei4 = edge_index.reshape(2, NW, NCH, CH)
    dst_rows = edge_index[1].reshape(NW, EW)
    hist = _hist_call()(dst_rows)
    dinv = _dinv_call(hist)
    hs1 = _mm1(x, W1, dinv)
    p1 = _agg_call()(ei4, hs1)
    hs2 = _mm2(p1, hs1, dinv, b1.reshape(1, F), W2)
    p2 = _agg_call()(ei4, hs2)
    out = _mm3(p2, hs2, dinv, b2.reshape(1, F), Wfc, bfc.reshape(1, F))
    return out

# --- scband reference (transcript-rebuilt; emitter-appended) ---
"""Pipeline reference for scband-graph-net-77464030151027 (READ-ONLY COPY).

The authoritative reference and input builder live on the scoring server;
editing this copy changes nothing except your own understanding.
"""

import jax, jax.numpy as jnp
import numpy as np

N = 10000
E = 320000
F = 128   # n_features
H = 128   # emb_size
A = 128   # n_actions


def setup_inputs(seed: int = 0) -> dict:
    key = jax.random.key(seed)
    ks = jax.random.split(key, 9)
    x = jax.random.normal(ks[0], (N, F), dtype=jnp.float32)
    edge_index = jax.random.randint(ks[1], (2, E), 0, N, dtype=jnp.int32)
    # GCNConv weights (glorot-ish scaling) and biases
    W1 = jax.random.normal(ks[2], (F, H), dtype=jnp.float32) * (1.0 / np.sqrt(F))
    b1 = jnp.zeros((H,), dtype=jnp.float32)
    W2 = jax.random.normal(ks[3], (H, H), dtype=jnp.float32) * (1.0 / np.sqrt(H))
    b2 = jnp.zeros((H,), dtype=jnp.float32)
    Wfc = jax.random.normal(ks[4], (H, A), dtype=jnp.float32) * (1.0 / np.sqrt(H))
    bfc = jnp.zeros((A,), dtype=jnp.float32)
    return {"x": x, "edge_index": edge_index, "W1": W1, "b1": b1,
            "W2": W2, "b2": b2, "Wfc": Wfc, "bfc": bfc}


def _gcn_conv(x, src, dst, W, b):
    # PyG-style GCNConv: add self-loops, symmetric normalization D^-1/2 (A+I) D^-1/2 X W + b
    n = x.shape[0]
    loop = jnp.arange(n, dtype=src.dtype)
    src2 = jnp.concatenate([src, loop])
    dst2 = jnp.concatenate([dst, loop])
    deg = jnp.zeros((n,), dtype=x.dtype).at[dst2].add(1.0)
    dinv = jnp.where(deg > 0, deg ** -0.5, 0.0)
    norm = dinv[src2] * dinv[dst2]
    h = x @ W
    msg = h[src2] * norm[:, None]
    out = jnp.zeros((n, W.shape[1]), dtype=x.dtype).at[dst2].add(msg)
    return out + b


def reference(x, edge_index, W1, b1, W2, b2, Wfc, bfc):
    src = edge_index[0]
    dst = edge_index[1]
    h = _gcn_conv(x, src, dst, W1, b1)
    h = jax.nn.relu(h)
    h = _gcn_conv(h, src, dst, W2, b2)
    out = h @ Wfc + bfc
    return out

if __name__ == "__main__":
    import jax
    _d = setup_inputs()
    print(jax.jit(kernel)(*tuple(_d.values())))

</pallas_src>

<mosaic_0001>
#map = affine_map<(d0, d1) -> (0, 0)>
module attributes {stable_mosaic.version = 14 : i64} {
  func.func @_hist_body(%arg0: i32, %arg1: i32, %arg2: memref<32x10000xi32, #tpu.memory_space<hbm>>, %arg3: memref<32x10000xf32, #tpu.memory_space<hbm>>, %arg4: memref<10000xi32, #tpu.memory_space<vmem>>, %arg5: memref<10000xf32, #tpu.memory_space<vmem>>) attributes {dimension_semantics = [#tpu.dimension_semantics<core_parallel>, #tpu.dimension_semantics<subcore_parallel>], iteration_bounds = array<i64: 2, 16>, scalar_prefetch = 0 : i64, scratch_operands = 2 : i64, tpu.core_type = #tpu.core_type<sc_vector_subcore>, window_params = [{transform_indices = #map}, {transform_indices = #map}]} {
    %mul3A = arith.constant 16 : i32
    %mul3A_0 = arith.muli %arg0, %mul3A : i32
    %add3A = arith.addi %mul3A_0, %arg1 : i32
    "tpu.region"() ({
      %run_scoped3A = tpu.sem_alloc : memref<!tpu.dma_semaphore, #tpu.memory_space<semaphore_mem>>
      %dma_start3A = arith.constant 0 : i32
      %dma_start3A_15 = tpu.memref_slice %arg2[%add3A, %dma_start3A] : memref<32x10000xi32, #tpu.memory_space<hbm>> -> memref<1x10000xi32, #tpu.memory_space<hbm>>
      %dma_start3A_16 = tpu.memref_squeeze %dma_start3A_15 : memref<1x10000xi32, #tpu.memory_space<hbm>> -> memref<10000xi32, #tpu.memory_space<hbm>>
      %dma_start3A_17 = arith.constant 0 : i32
      %dma_start3A_18 = tpu.memref_slice %arg2[%add3A, %dma_start3A_17] : memref<32x10000xi32, #tpu.memory_space<hbm>> -> memref<1x10000xi32, #tpu.memory_space<hbm>>
      %dma_start3A_19 = tpu.memref_squeeze %dma_start3A_18 : memref<1x10000xi32, #tpu.memory_space<hbm>> -> memref<10000xi32, #tpu.memory_space<hbm>>
      tpu.enqueue_dma source(%dma_start3A_19 : memref<10000xi32, #tpu.memory_space<hbm>>) target(%arg4 : memref<10000xi32, #tpu.memory_space<vmem>>) target_semaphore(%run_scoped3A : memref<!tpu.dma_semaphore, #tpu.memory_space<semaphore_mem>>)
      %dma_wait3A = arith.constant 0 : i32
      %dma_wait3A_20 = tpu.memref_slice %arg2[%add3A, %dma_wait3A] : memref<32x10000xi32, #tpu.memory_space<hbm>> -> memref<1x10000xi32, #tpu.memory_space<hbm>>
      %dma_wait3A_21 = tpu.memref_squeeze %dma_wait3A_20 : memref<1x10000xi32, #tpu.memory_space<hbm>> -> memref<10000xi32, #tpu.memory_space<hbm>>
      %dma_wait3A_22 = arith.constant 0 : i32
      %dma_wait3A_23 = tpu.memref_slice %arg2[%add3A, %dma_wait3A_22] : memref<32x10000xi32, #tpu.memory_space<hbm>> -> memref<1x10000xi32, #tpu.memory_space<hbm>>
      %dma_wait3A_24 = tpu.memref_squeeze %dma_wait3A_23 : memref<1x10000xi32, #tpu.memory_space<hbm>> -> memref<10000xi32, #tpu.memory_space<hbm>>
      tpu.wait_dma2 semaphore(%run_scoped3A : memref<!tpu.dma_semaphore, #tpu.memory_space<semaphore_mem>>) src(%dma_wait3A_24 : memref<10000xi32, #tpu.memory_space<hbm>>) dst(%arg4 : memref<10000xi32, #tpu.memory_space<vmem>>)
      tpu.yield
    }) : () -> ()
    %broadcast_in_dim3A = arith.constant 0.000000e+00 : f32
    %broadcast_in_dim3A_1 = vector.broadcast %broadcast_in_dim3A : f32 to vector<16xf32>
    %broadcast_in_dim3A_2 = arith.constant 1.000000e+00 : f32
    %broadcast_in_dim3A_3 = vector.broadcast %broadcast_in_dim3A_2 : f32 to vector<16xf32>
    %scan3A = arith.constant 0 : i32
    %scan3A_4 = arith.constant 0 : i32
    %scan3A_5 = arith.constant 625 : i32
    %scan3A_6 = arith.addi %scan3A_4, %scan3A_5 : i32
    %scan3A_7 = arith.constant 1 : i32
    scf.for %scan3A_15 = %scan3A_4 to %scan3A_6 step %scan3A_7  : i32 {
      %mul3A_16 = arith.constant 16 : i32
      %mul3A_17 = arith.muli %scan3A_15, %mul3A_16 : i32
      %swap3A = arith.index_cast %mul3A_17 : i32 to index
      %swap3A_18 = tpu.vector_load %arg5[%swap3A] {strides = array<i32>} : memref<10000xf32, #tpu.memory_space<vmem>>, vector<16xf32>,
      tpu.vector_store %arg5[%swap3A], %broadcast_in_dim3A_1 {strides = array<i32>} : memref<10000xf32, #tpu.memory_space<vmem>>, vector<16xf32>,
    }
    %scan3A_8 = arith.constant 625 : i32
    %scan3A_9 = arith.constant 0 : i32
    %scan3A_10 = arith.constant 0 : i32
    %scan3A_11 = arith.constant 625 : i32
    %scan3A_12 = arith.addi %scan3A_10, %scan3A_11 : i32
    %scan3A_13 = arith.constant 1 : i32
    scf.for %scan3A_15 = %scan3A_10 to %scan3A_12 step %scan3A_13  : i32 {
      %mul3A_16 = arith.constant 16 : i32
      %mul3A_17 = arith.muli %scan3A_15, %mul3A_16 : i32
      %get3A = arith.index_cast %mul3A_17 : i32 to index
      %get3A_18 = tpu.vector_load %arg4[%get3A] {strides = array<i32>} : memref<10000xi32, #tpu.memory_space<vmem>>, vector<16xi32>,
      tpu.vector_store_idx %arg5[%get3A_18], %broadcast_in_dim3A_3 {add = true} : memref<10000xf32, #tpu.memory_space<vmem>>[vector<16xi32>], vector<16xf32>,
    }
    %scan3A_14 = arith.constant 625 : i32
    "tpu.region"() ({
      %run_scoped3A = tpu.sem_alloc : memref<!tpu.dma_semaphore, #tpu.memory_space<semaphore_mem>>
      %dma_start3A = arith.constant 0 : i32
      %dma_start3A_15 = tpu.memref_slice %arg3[%add3A, %dma_start3A] : memref<32x10000xf32, #tpu.memory_space<hbm>> -> memref<1x10000xf32, #tpu.memory_space<hbm>>
      %dma_start3A_16 = tpu.memref_squeeze %dma_start3A_15 : memref<1x10000xf32, #tpu.memory_space<hbm>> -> memref<10000xf32, #tpu.memory_space<hbm>>
      %dma_start3A_17 = arith.constant 0 : i32
      %dma_start3A_18 = tpu.memref_slice %arg3[%add3A, %dma_start3A_17] : memref<32x10000xf32, #tpu.memory_space<hbm>> -> memref<1x10000xf32, #tpu.memory_space<hbm>>
      %dma_start3A_19 = tpu.memref_squeeze %dma_start3A_18 : memref<1x10000xf32, #tpu.memory_space<hbm>> -> memref<10000xf32, #tpu.memory_space<hbm>>
      tpu.enqueue_dma source(%arg5 : memref<10000xf32, #tpu.memory_space<vmem>>) target(%dma_start3A_19 : memref<10000xf32, #tpu.memory_space<hbm>>) target_semaphore(%run_scoped3A : memref<!tpu.dma_semaphore, #tpu.memory_space<semaphore_mem>>)
      %dma_wait3A = arith.constant 0 : i32
      %dma_wait3A_20 = tpu.memref_slice %arg3[%add3A, %dma_wait3A] : memref<32x10000xf32, #tpu.memory_space<hbm>> -> memref<1x10000xf32, #tpu.memory_space<hbm>>
      %dma_wait3A_21 = tpu.memref_squeeze %dma_wait3A_20 : memref<1x10000xf32, #tpu.memory_space<hbm>> -> memref<10000xf32, #tpu.memory_space<hbm>>
      %dma_wait3A_22 = arith.constant 0 : i32
      %dma_wait3A_23 = tpu.memref_slice %arg3[%add3A, %dma_wait3A_22] : memref<32x10000xf32, #tpu.memory_space<hbm>> -> memref<1x10000xf32, #tpu.memory_space<hbm>>
      %dma_wait3A_24 = tpu.memref_squeeze %dma_wait3A_23 : memref<1x10000xf32, #tpu.memory_space<hbm>> -> memref<10000xf32, #tpu.memory_space<hbm>>
      tpu.wait_dma2 semaphore(%run_scoped3A : memref<!tpu.dma_semaphore, #tpu.memory_space<semaphore_mem>>) src(%arg5 : memref<10000xf32, #tpu.memory_space<vmem>>) dst(%dma_wait3A_24 : memref<10000xf32, #tpu.memory_space<hbm>>)
      tpu.yield
    }) : () -> ()
    return
  }
}

#map = affine_map<(d0, d1) -> (0, 0, 0, 0)>
#map1 = affine_map<(d0, d1) -> (0, 0)>
#map2 = affine_map<(d0, d1) -> (0, 0, 0)>
module attributes {stable_mosaic.version = 14 : i64} {
  func.func @_agg_body(%arg0: i32, %arg1: i32, %arg2: memref<2x32x100x100xi32, #tpu.memory_space<hbm>>, %arg3: memref<10000x128xf32, #tpu.memory_space<hbm>>, %arg4: memref<2x10000x128xf32, #tpu.memory_space<hbm>>, %arg5: memref<100x100xi32, #tpu.memory_space<vmem>>, %arg6: memref<100x100xi32, #tpu.memory_space<vmem>>, %arg7: memref<100x128xf32, #tpu.memory_space<vmem>>, %arg8: memref<125x128xf32, #tpu.memory_space<vmem>>, %arg9: memref<10000x128xf32, #tpu.memory_space<vmem_shared>>, %arg10: memref<!tpu.dma_semaphore, #tpu.memory_space<semaphore_mem>>) attributes {dimension_semantics = [#tpu.dimension_semantics<core_parallel>, #tpu.dimension_semantics<subcore_parallel>], iteration_bounds = array<i64: 2, 16>, scalar_prefetch = 0 : i64, scratch_operands = 6 : i64, tpu.core_type = #tpu.core_type<sc_vector_subcore>, window_params = [{transform_indices = #map}, {transform_indices = #map1}, {transform_indices = #map2}]} {
    %mul3A = arith.constant 16 : i32
    %mul3A_0 = arith.muli %arg0, %mul3A : i32
    %add3A = arith.addi %mul3A_0, %arg1 : i32
    %run_scoped3A = arith.constant 0 : i32
    "tpu.region"() ({
      %run_scoped3A_39 = tpu.sem_alloc : memref<!tpu.dma_semaphore, #tpu.memory_space<semaphore_mem>>
      %dma_start3A = arith.constant 0 : i32
      %dma_start3A_40 = arith.constant 0 : i32
      %dma_start3A_41 = tpu.memref_slice %arg2[%run_scoped3A, %add3A, %dma_start3A, %dma_start3A_40] : memref<2x32x100x100xi32, #tpu.memory_space<hbm>> -> memref<1x1x100x100xi32, #tpu.memory_space<hbm>>
      %dma_start3A_42 = tpu.memref_squeeze %dma_start3A_41 : memref<1x1x100x100xi32, #tpu.memory_space<hbm>> -> memref<100x100xi32, #tpu.memory_space<hbm>>
      %dma_start3A_43 = arith.constant 0 : i32
      %dma_start3A_44 = arith.constant 0 : i32
      %dma_start3A_45 = tpu.memref_slice %arg2[%run_scoped3A, %add3A, %dma_start3A_43, %dma_start3A_44] : memref<2x32x100x100xi32, #tpu.memory_space<hbm>> -> memref<1x1x100x100xi32, #tpu.memory_space<hbm>>
      %dma_start3A_46 = tpu.memref_squeeze %dma_start3A_45 : memref<1x1x100x100xi32, #tpu.memory_space<hbm>> -> memref<100x100xi32, #tpu.memory_space<hbm>>
      tpu.enqueue_dma source(%dma_start3A_46 : memref<100x100xi32, #tpu.memory_space<hbm>>) target(%arg5 : memref<100x100xi32, #tpu.memory_space<vmem>>) target_semaphore(%run_scoped3A_39 : memref<!tpu.dma_semaphore, #tpu.memory_space<semaphore_mem>>)
      %dma_wait3A = arith.constant 0 : i32
      %dma_wait3A_47 = arith.constant 0 : i32
      %dma_wait3A_48 = tpu.memref_slice %arg2[%run_scoped3A, %add3A, %dma_wait3A, %dma_wait3A_47] : memref<2x32x100x100xi32, #tpu.memory_space<hbm>> -> memref<1x1x100x100xi32, #tpu.memory_space<hbm>>
      %dma_wait3A_49 = tpu.memref_squeeze %dma_wait3A_48 : memref<1x1x100x100xi32, #tpu.memory_space<hbm>> -> memref<100x100xi32, #tpu.memory_space<hbm>>
      %dma_wait3A_50 = arith.constant 0 : i32
      %dma_wait3A_51 = arith.constant 0 : i32
      %dma_wait3A_52 = tpu.memref_slice %arg2[%run_scoped3A, %add3A, %dma_wait3A_50, %dma_wait3A_51] : memref<2x32x100x100xi32, #tpu.memory_space<hbm>> -> memref<1x1x100x100xi32, #tpu.memory_space<hbm>>
      %dma_wait3A_53 = tpu.memref_squeeze %dma_wait3A_52 : memref<1x1x100x100xi32, #tpu.memory_space<hbm>> -> memref<100x100xi32, #tpu.memory_space<hbm>>
      tpu.wait_dma2 semaphore(%run_scoped3A_39 : memref<!tpu.dma_semaphore, #tpu.memory_space<semaphore_mem>>) src(%dma_wait3A_53 : memref<100x100xi32, #tpu.memory_space<hbm>>) dst(%arg5 : memref<100x100xi32, #tpu.memory_space<vmem>>)
      tpu.yield
    }) : () -> ()
    %run_scoped3A_1 = arith.constant 1 : i32
    "tpu.region"() ({
      %run_scoped3A_39 = tpu.sem_alloc : memref<!tpu.dma_semaphore, #tpu.memory_space<semaphore_mem>>
      %dma_start3A = arith.constant 0 : i32
      %dma_start3A_40 = arith.constant 0 : i32
      %dma_start3A_41 = tpu.memref_slice %arg2[%run_scoped3A_1, %add3A, %dma_start3A, %dma_start3A_40] : memref<2x32x100x100xi32, #tpu.memory_space<hbm>> -> memref<1x1x100x100xi32, #tpu.memory_space<hbm>>
      %dma_start3A_42 = tpu.memref_squeeze %dma_start3A_41 : memref<1x1x100x100xi32, #tpu.memory_space<hbm>> -> memref<100x100xi32, #tpu.memory_space<hbm>>
      %dma_start3A_43 = arith.constant 0 : i32
      %dma_start3A_44 = arith.constant 0 : i32
      %dma_start3A_45 = tpu.memref_slice %arg2[%run_scoped3A_1, %add3A, %dma_start3A_43, %dma_start3A_44] : memref<2x32x100x100xi32, #tpu.memory_space<hbm>> -> memref<1x1x100x100xi32, #tpu.memory_space<hbm>>
      %dma_start3A_46 = tpu.memref_squeeze %dma_start3A_45 : memref<1x1x100x100xi32, #tpu.memory_space<hbm>> -> memref<100x100xi32, #tpu.memory_space<hbm>>
      tpu.enqueue_dma source(%dma_start3A_46 : memref<100x100xi32, #tpu.memory_space<hbm>>) target(%arg6 : memref<100x100xi32, #tpu.memory_space<vmem>>) target_semaphore(%run_scoped3A_39 : memref<!tpu.dma_semaphore, #tpu.memory_space<semaphore_mem>>)
      %dma_wait3A = arith.constant 0 : i32
      %dma_wait3A_47 = arith.constant 0 : i32
      %dma_wait3A_48 = tpu.memref_slice %arg2[%run_scoped3A_1, %add3A, %dma_wait3A, %dma_wait3A_47] : memref<2x32x100x100xi32, #tpu.memory_space<hbm>> -> memref<1x1x100x100xi32, #tpu.memory_space<hbm>>
      %dma_wait3A_49 = tpu.memref_squeeze %dma_wait3A_48 : memref<1x1x100x100xi32, #tpu.memory_space<hbm>> -> memref<100x100xi32, #tpu.memory_space<hbm>>
      %dma_wait3A_50 = arith.constant 0 : i32
      %dma_wait3A_51 = arith.constant 0 : i32
      %dma_wait3A_52 = tpu.memref_slice %arg2[%run_scoped3A_1, %add3A, %dma_wait3A_50, %dma_wait3A_51] : memref<2x32x100x100xi32, #tpu.memory_space<hbm>> -> memref<1x1x100x100xi32, #tpu.memory_space<hbm>>
      %dma_wait3A_53 = tpu.memref_squeeze %dma_wait3A_52 : memref<1x1x100x100xi32, #tpu.memory_space<hbm>> -> memref<100x100xi32, #tpu.memory_space<hbm>>
      tpu.wait_dma2 semaphore(%run_scoped3A_39 : memref<!tpu.dma_semaphore, #tpu.memory_space<semaphore_mem>>) src(%dma_wait3A_53 : memref<100x100xi32, #tpu.memory_space<hbm>>) dst(%arg6 : memref<100x100xi32, #tpu.memory_space<vmem>>)
      tpu.yield
    }) : () -> ()
    %broadcast_in_dim3A = arith.constant 0.000000e+00 : f32
    %broadcast_in_dim3A_2 = vector.broadcast %broadcast_in_dim3A : f32 to vector<16xf32>
    %scan3A = arith.constant 0 : i32
    %scan3A_3 = arith.constant 0 : i32
    %scan3A_4 = arith.constant 125 : i32
    %scan3A_5 = arith.addi %scan3A_3, %scan3A_4 : i32
    %scan3A_6 = arith.constant 1 : i32
    scf.for %scan3A_39 = %scan3A_3 to %scan3A_5 step %scan3A_6  : i32 {
      %swap3A = arith.index_cast %scan3A_39 : i32 to index
      %swap3A_40 = arith.constant 0 : index
      %swap3A_41 = tpu.vector_load %arg8[%swap3A, %swap3A_40] {strides = array<i32>} : memref<125x128xf32, #tpu.memory_space<vmem>>, vector<16xf32>,
      tpu.vector_store %arg8[%swap3A, %swap3A_40], %broadcast_in_dim3A_2 {strides = array<i32>} : memref<125x128xf32, #tpu.memory_space<vmem>>, vector<16xf32>,
      %swap3A_42 = arith.index_cast %scan3A_39 : i32 to index
      %swap3A_43 = arith.constant 16 : index
      %swap3A_44 = tpu.vector_load %arg8[%swap3A_42, %swap3A_43] {strides = array<i32>} : memref<125x128xf32, #tpu.memory_space<vmem>>, vector<16xf32>,
      tpu.vector_store %arg8[%swap3A_42, %swap3A_43], %broadcast_in_dim3A_2 {strides = array<i32>} : memref<125x128xf32, #tpu.memory_space<vmem>>, vector<16xf32>,
      %swap3A_45 = arith.index_cast %scan3A_39 : i32 to index
      %swap3A_46 = arith.constant 32 : index
      %swap3A_47 = tpu.vector_load %arg8[%swap3A_45, %swap3A_46] {strides = array<i32>} : memref<125x128xf32, #tpu.memory_space<vmem>>, vector<16xf32>,
      tpu.vector_store %arg8[%swap3A_45, %swap3A_46], %broadcast_in_dim3A_2 {strides = array<i32>} : memref<125x128xf32, #tpu.memory_space<vmem>>, vector<16xf32>,
      %swap3A_48 = arith.index_cast %scan3A_39 : i32 to index
      %swap3A_49 = arith.constant 48 : index
      %swap3A_50 = tpu.vector_load %arg8[%swap3A_48, %swap3A_49] {strides = array<i32>} : memref<125x128xf32, #tpu.memory_space<vmem>>, vector<16xf32>,
      tpu.vector_store %arg8[%swap3A_48, %swap3A_49], %broadcast_in_dim3A_2 {strides = array<i32>} : memref<125x128xf32, #tpu.memory_space<vmem>>, vector<16xf32>,
      %swap3A_51 = arith.index_cast %scan3A_39 : i32 to index
      %swap3A_52 = arith.constant 64 : index
      %swap3A_53 = tpu.vector_load %arg8[%swap3A_51, %swap3A_52] {strides = array<i32>} : memref<125x128xf32, #tpu.memory_space<vmem>>, vector<16xf32>,
      tpu.vector_store %arg8[%swap3A_51, %swap3A_52], %broadcast_in_dim3A_2 {strides = array<i32>} : memref<125x128xf32, #tpu.memory_space<vmem>>, vector<16xf32>,
      %swap3A_54 = arith.index_cast %scan3A_39 : i32 to index
      %swap3A_55 = arith.constant 80 : index
      %swap3A_56 = tpu.vector_load %arg8[%swap3A_54, %swap3A_55] {strides = array<i32>} : memref<125x128xf32, #tpu.memory_space<vmem>>, vector<16xf32>,
      tpu.vector_store %arg8[%swap3A_54, %swap3A_55], %broadcast_in_dim3A_2 {strides = array<i32>} : memref<125x128xf32, #tpu.memory_space<vmem>>, vector<16xf32>,
      %swap3A_57 = arith.index_cast %scan3A_39 : i32 to index
      %swap3A_58 = arith.constant 96 : index
      %swap3A_59 = tpu.vector_load %arg8[%swap3A_57, %swap3A_58] {strides = array<i32>} : memref<125x128xf32, #tpu.memory_space<vmem>>, vector<16xf32>,
      tpu.vector_store %arg8[%swap3A_57, %swap3A_58], %broadcast_in_dim3A_2 {strides = array<i32>} : memref<125x128xf32, #tpu.memory_space<vmem>>, vector<16xf32>,
      %swap3A_60 = arith.index_cast %scan3A_39 : i32 to index
      %swap3A_61 = arith.constant 112 : index
      %swap3A_62 = tpu.vector_load %arg8[%swap3A_60, %swap3A_61] {strides = array<i32>} : memref<125x128xf32, #tpu.memory_space<vmem>>, vector<16xf32>,
      tpu.vector_store %arg8[%swap3A_60, %swap3A_61], %broadcast_in_dim3A_2 {strides = array<i32>} : memref<125x128xf32, #tpu.memory_space<vmem>>, vector<16xf32>,
    }
    %scan3A_7 = arith.constant 125 : i32
    %mul3A_8 = arith.constant 625 : i32
    %mul3A_9 = arith.muli %arg1, %mul3A_8 : i32
    %add3A_10 = arith.constant 0 : i32
    %add3A_11 = arith.addi %mul3A_9, %add3A_10 : i32
    "tpu.region"() ({
      %run_scoped3A_39 = tpu.sem_alloc : memref<!tpu.dma_semaphore, #tpu.memory_space<semaphore_mem>>
      %dma_start3A = arith.constant 0 : i32
      %dma_start3A_40 = tpu.memref_slice %arg9[%add3A_11, %dma_start3A] : memref<10000x128xf32, #tpu.memory_space<vmem_shared>> -> memref<125x128xf32, #tpu.memory_space<vmem_shared>>
      %dma_start3A_41 = arith.constant 0 : i32
      %dma_start3A_42 = tpu.memref_slice %arg9[%add3A_11, %dma_start3A_41] : memref<10000x128xf32, #tpu.memory_space<vmem_shared>> -> memref<125x128xf32, #tpu.memory_space<vmem_shared>>
      tpu.enqueue_dma source(%arg8 : memref<125x128xf32, #tpu.memory_space<vmem>>) target(%dma_start3A_42 : memref<125x128xf32, #tpu.memory_space<vmem_shared>>) target_semaphore(%run_scoped3A_39 : memref<!tpu.dma_semaphore, #tpu.memory_space<semaphore_mem>>)
      %dma_wait3A = arith.constant 0 : i32
      %dma_wait3A_43 = tpu.memref_slice %arg9[%add3A_11, %dma_wait3A] : memref<10000x128xf32, #tpu.memory_space<vmem_shared>> -> memref<125x128xf32, #tpu.memory_space<vmem_shared>>
      %dma_wait3A_44 = arith.constant 0 : i32
      %dma_wait3A_45 = tpu.memref_slice %arg9[%add3A_11, %dma_wait3A_44] : memref<10000x128xf32, #tpu.memory_space<vmem_shared>> -> memref<125x128xf32, #tpu.memory_space<vmem_shared>>
      tpu.wait_dma2 semaphore(%run_scoped3A_39 : memref<!tpu.dma_semaphore, #tpu.memory_space<semaphore_mem>>) src(%arg8 : memref<125x128xf32, #tpu.memory_space<vmem>>) dst(%dma_wait3A_45 : memref<125x128xf32, #tpu.memory_space<vmem_shared>>)
      tpu.yield
    }) : () -> ()
    %mul3A_12 = arith.constant 625 : i32
    %mul3A_13 = arith.muli %arg1, %mul3A_12 : i32
    %add3A_14 = arith.constant 125 : i32
    %add3A_15 = arith.addi %mul3A_13, %add3A_14 : i32
    "tpu.region"() ({
      %run_scoped3A_39 = tpu.sem_alloc : memref<!tpu.dma_semaphore, #tpu.memory_space<semaphore_mem>>
      %dma_start3A = arith.constant 0 : i32
      %dma_start3A_40 = tpu.memref_slice %arg9[%add3A_15, %dma_start3A] : memref<10000x128xf32, #tpu.memory_space<vmem_shared>> -> memref<125x128xf32, #tpu.memory_space<vmem_shared>>
      %dma_start3A_41 = arith.constant 0 : i32
      %dma_start3A_42 = tpu.memref_slice %arg9[%add3A_15, %dma_start3A_41] : memref<10000x128xf32, #tpu.memory_space<vmem_shared>> -> memref<125x128xf32, #tpu.memory_space<vmem_shared>>
      tpu.enqueue_dma source(%arg8 : memref<125x128xf32, #tpu.memory_space<vmem>>) target(%dma_start3A_42 : memref<125x128xf32, #tpu.memory_space<vmem_shared>>) target_semaphore(%run_scoped3A_39 : memref<!tpu.dma_semaphore, #tpu.memory_space<semaphore_mem>>)
      %dma_wait3A = arith.constant 0 : i32
      %dma_wait3A_43 = tpu.memref_slice %arg9[%add3A_15, %dma_wait3A] : memref<10000x128xf32, #tpu.memory_space<vmem_shared>> -> memref<125x128xf32, #tpu.memory_space<vmem_shared>>
      %dma_wait3A_44 = arith.constant 0 : i32
      %dma_wait3A_45 = tpu.memref_slice %arg9[%add3A_15, %dma_wait3A_44] : memref<10000x128xf32, #tpu.memory_space<vmem_shared>> -> memref<125x128xf32, #tpu.memory_space<vmem_shared>>
      tpu.wait_dma2 semaphore(%run_scoped3A_39 : memref<!tpu.dma_semaphore, #tpu.memory_space<semaphore_mem>>) src(%arg8 : memref<125x128xf32, #tpu.memory_space<vmem>>) dst(%dma_wait3A_45 : memref<125x128xf32, #tpu.memory_space<vmem_shared>>)
      tpu.yield
    }) : () -> ()
    %mul3A_16 = arith.constant 625 : i32
    %mul3A_17 = arith.muli %arg1, %mul3A_16 : i32
    %add3A_18 = arith.constant 250 : i32
    %add3A_19 = arith.addi %mul3A_17, %add3A_18 : i32
    "tpu.region"() ({
      %run_scoped3A_39 = tpu.sem_alloc : memref<!tpu.dma_semaphore, #tpu.memory_space<semaphore_mem>>
      %dma_start3A = arith.constant 0 : i32
      %dma_start3A_40 = tpu.memref_slice %arg9[%add3A_19, %dma_start3A] : memref<10000x128xf32, #tpu.memory_space<vmem_shared>> -> memref<125x128xf32, #tpu.memory_space<vmem_shared>>
      %dma_start3A_41 = arith.constant 0 : i32
      %dma_start3A_42 = tpu.memref_slice %arg9[%add3A_19, %dma_start3A_41] : memref<10000x128xf32, #tpu.memory_space<vmem_shared>> -> memref<125x128xf32, #tpu.memory_space<vmem_shared>>
      tpu.enqueue_dma source(%arg8 : memref<125x128xf32, #tpu.memory_space<vmem>>) target(%dma_start3A_42 : memref<125x128xf32, #tpu.memory_space<vmem_shared>>) target_semaphore(%run_scoped3A_39 : memref<!tpu.dma_semaphore, #tpu.memory_space<semaphore_mem>>)
      %dma_wait3A = arith.constant 0 : i32
      %dma_wait3A_43 = tpu.memref_slice %arg9[%add3A_19, %dma_wait3A] : memref<10000x128xf32, #tpu.memory_space<vmem_shared>> -> memref<125x128xf32, #tpu.memory_space<vmem_shared>>
      %dma_wait3A_44 = arith.constant 0 : i32
      %dma_wait3A_45 = tpu.memref_slice %arg9[%add3A_19, %dma_wait3A_44] : memref<10000x128xf32, #tpu.memory_space<vmem_shared>> -> memref<125x128xf32, #tpu.memory_space<vmem_shared>>
      tpu.wait_dma2 semaphore(%run_scoped3A_39 : memref<!tpu.dma_semaphore, #tpu.memory_space<semaphore_mem>>) src(%arg8 : memref<125x128xf32, #tpu.memory_space<vmem>>) dst(%dma_wait3A_45 : memref<125x128xf32, #tpu.memory_space<vmem_shared>>)
      tpu.yield
    }) : () -> ()
    %mul3A_20 = arith.constant 625 : i32
    %mul3A_21 = arith.muli %arg1, %mul3A_20 : i32
    %add3A_22 = arith.constant 375 : i32
    %add3A_23 = arith.addi %mul3A_21, %add3A_22 : i32
    "tpu.region"() ({
      %run_scoped3A_39 = tpu.sem_alloc : memref<!tpu.dma_semaphore, #tpu.memory_space<semaphore_mem>>
      %dma_start3A = arith.constant 0 : i32
      %dma_start3A_40 = tpu.memref_slice %arg9[%add3A_23, %dma_start3A] : memref<10000x128xf32, #tpu.memory_space<vmem_shared>> -> memref<125x128xf32, #tpu.memory_space<vmem_shared>>
      %dma_start3A_41 = arith.constant 0 : i32
      %dma_start3A_42 = tpu.memref_slice %arg9[%add3A_23, %dma_start3A_41] : memref<10000x128xf32, #tpu.memory_space<vmem_shared>> -> memref<125x128xf32, #tpu.memory_space<vmem_shared>>
      tpu.enqueue_dma source(%arg8 : memref<125x128xf32, #tpu.memory_space<vmem>>) target(%dma_start3A_42 : memref<125x128xf32, #tpu.memory_space<vmem_shared>>) target_semaphore(%run_scoped3A_39 : memref<!tpu.dma_semaphore, #tpu.memory_space<semaphore_mem>>)
      %dma_wait3A = arith.constant 0 : i32
      %dma_wait3A_43 = tpu.memref_slice %arg9[%add3A_23, %dma_wait3A] : memref<10000x128xf32, #tpu.memory_space<vmem_shared>> -> memref<125x128xf32, #tpu.memory_space<vmem_shared>>
      %dma_wait3A_44 = arith.constant 0 : i32
      %dma_wait3A_45 = tpu.memref_slice %arg9[%add3A_23, %dma_wait3A_44] : memref<10000x128xf32, #tpu.memory_space<vmem_shared>> -> memref<125x128xf32, #tpu.memory_space<vmem_shared>>
      tpu.wait_dma2 semaphore(%run_scoped3A_39 : memref<!tpu.dma_semaphore, #tpu.memory_space<semaphore_mem>>) src(%arg8 : memref<125x128xf32, #tpu.memory_space<vmem>>) dst(%dma_wait3A_45 : memref<125x128xf32, #tpu.memory_space<vmem_shared>>)
      tpu.yield
    }) : () -> ()
    %mul3A_24 = arith.constant 625 : i32
    %mul3A_25 = arith.muli %arg1, %mul3A_24 : i32
    %add3A_26 = arith.constant 500 : i32
    %add3A_27 = arith.addi %mul3A_25, %add3A_26 : i32
    "tpu.region"() ({
      %run_scoped3A_39 = tpu.sem_alloc : memref<!tpu.dma_semaphore, #tpu.memory_space<semaphore_mem>>
      %dma_start3A = arith.constant 0 : i32
      %dma_start3A_40 = tpu.memref_slice %arg9[%add3A_27, %dma_start3A] : memref<10000x128xf32, #tpu.memory_space<vmem_shared>> -> memref<125x128xf32, #tpu.memory_space<vmem_shared>>
      %dma_start3A_41 = arith.constant 0 : i32
      %dma_start3A_42 = tpu.memref_slice %arg9[%add3A_27, %dma_start3A_41] : memref<10000x128xf32, #tpu.memory_space<vmem_shared>> -> memref<125x128xf32, #tpu.memory_space<vmem_shared>>
      tpu.enqueue_dma source(%arg8 : memref<125x128xf32, #tpu.memory_space<vmem>>) target(%dma_start3A_42 : memref<125x128xf32, #tpu.memory_space<vmem_shared>>) target_semaphore(%run_scoped3A_39 : memref<!tpu.dma_semaphore, #tpu.memory_space<semaphore_mem>>)
      %dma_wait3A = arith.constant 0 : i32
      %dma_wait3A_43 = tpu.memref_slice %arg9[%add3A_27, %dma_wait3A] : memref<10000x128xf32, #tpu.memory_space<vmem_shared>> -> memref<125x128xf32, #tpu.memory_space<vmem_shared>>
      %dma_wait3A_44 = arith.constant 0 : i32
      %dma_wait3A_45 = tpu.memref_slice %arg9[%add3A_27, %dma_wait3A_44] : memref<10000x128xf32, #tpu.memory_space<vmem_shared>> -> memref<125x128xf32, #tpu.memory_space<vmem_shared>>
      tpu.wait_dma2 semaphore(%run_scoped3A_39 : memref<!tpu.dma_semaphore, #tpu.memory_space<semaphore_mem>>) src(%arg8 : memref<125x128xf32, #tpu.memory_space<vmem>>) dst(%dma_wait3A_45 : memref<125x128xf32, #tpu.memory_space<vmem_shared>>)
      tpu.yield
    }) : () -> ()
    %barrier3A = arith.constant 0 : index
    tpu.barrier barrier_id(%barrier3A)
    %scan3A_28 = arith.constant 0 : i32
    %scan3A_29 = arith.constant 0 : i32
    %scan3A_30 = arith.constant 100 : i32
    %scan3A_31 = arith.addi %scan3A_29, %scan3A_30 : i32
    %scan3A_32 = arith.constant 1 : i32
    scf.for %scan3A_39 = %scan3A_29 to %scan3A_31 step %scan3A_32  : i32 {
      %dma_start3A = arith.constant 0 : i32
      %dma_start3A_40 = tpu.memref_slice %arg5[%scan3A_39, %dma_start3A] : memref<100x100xi32, #tpu.memory_space<vmem>> -> memref<1x100xi32, #tpu.memory_space<vmem>>
      %dma_start3A_41 = tpu.memref_squeeze %dma_start3A_40 : memref<1x100xi32, #tpu.memory_space<vmem>> -> memref<100xi32, #tpu.memory_space<vmem>>
      %dma_start3A_42 = arith.constant 0 : i32
      %dma_start3A_43 = arith.constant 0 : i32
      %dma_start3A_44 = tpu.memref_slice %arg3[%dma_start3A_42, %dma_start3A_43] : memref<10000x128xf32, #tpu.memory_space<hbm>> -> memref<10000x128xf32, #tpu.memory_space<hbm>>
      tpu.enqueue_indirect_dma source(%dma_start3A_44 : memref<10000x128xf32, #tpu.memory_space<hbm>>) target(%arg7 : memref<100x128xf32, #tpu.memory_space<vmem>>) offsets(%dma_start3A_41 : memref<100xi32, #tpu.memory_space<vmem>>) semaphore(%arg10 : memref<!tpu.dma_semaphore, #tpu.memory_space<semaphore_mem>>)
      %dma_wait3A = arith.constant 0 : i32
      %dma_wait3A_45 = tpu.memref_slice %arg5[%scan3A_39, %dma_wait3A] : memref<100x100xi32, #tpu.memory_space<vmem>> -> memref<1x100xi32, #tpu.memory_space<vmem>>
      %dma_wait3A_46 = tpu.memref_squeeze %dma_wait3A_45 : memref<1x100xi32, #tpu.memory_space<vmem>> -> memref<100xi32, #tpu.memory_space<vmem>>
      %dma_wait3A_47 = arith.constant 0 : i32
      %dma_wait3A_48 = arith.constant 0 : i32
      %dma_wait3A_49 = tpu.memref_slice %arg3[%dma_wait3A_47, %dma_wait3A_48] : memref<10000x128xf32, #tpu.memory_space<hbm>> -> memref<10000x128xf32, #tpu.memory_space<hbm>>
      tpu.wait_indirect_dma semaphore(%arg10 : memref<!tpu.dma_semaphore, #tpu.memory_space<semaphore_mem>>) src(%dma_wait3A_49 : memref<10000x128xf32, #tpu.memory_space<hbm>>) dst(%arg7 : memref<100x128xf32, #tpu.memory_space<vmem>>)
      "tpu.region"() ({
        %run_scoped3A_50 = tpu.sem_alloc : memref<!tpu.dma_semaphore, #tpu.memory_space<semaphore_mem>>
        %dma_start3A_51 = arith.constant 0 : i32
        %dma_start3A_52 = tpu.memref_slice %arg6[%scan3A_39, %dma_start3A_51] : memref<100x100xi32, #tpu.memory_space<vmem>> -> memref<1x100xi32, #tpu.memory_space<vmem>>
        %dma_start3A_53 = tpu.memref_squeeze %dma_start3A_52 : memref<1x100xi32, #tpu.memory_space<vmem>> -> memref<100xi32, #tpu.memory_space<vmem>>
        %dma_start3A_54 = arith.constant 0 : i32
        %dma_start3A_55 = arith.constant 0 : i32
        %dma_start3A_56 = tpu.memref_slice %arg9[%dma_start3A_54, %dma_start3A_55] : memref<10000x128xf32, #tpu.memory_space<vmem_shared>> -> memref<10000x128xf32, #tpu.memory_space<vmem_shared>>
        tpu.enqueue_indirect_dma source(%arg7 : memref<100x128xf32, #tpu.memory_space<vmem>>) target(%dma_start3A_56 : memref<10000x128xf32, #tpu.memory_space<vmem_shared>>) offsets(%dma_start3A_53 : memref<100xi32, #tpu.memory_space<vmem>>) semaphore(%run_scoped3A_50 : memref<!tpu.dma_semaphore, #tpu.memory_space<semaphore_mem>>) {add = true}
        %dma_wait3A_57 = arith.constant 0 : i32
        %dma_wait3A_58 = tpu.memref_slice %arg6[%scan3A_39, %dma_wait3A_57] : memref<100x100xi32, #tpu.memory_space<vmem>> -> memref<1x100xi32, #tpu.memory_space<vmem>>
        %dma_wait3A_59 = tpu.memref_squeeze %dma_wait3A_58 : memref<1x100xi32, #tpu.memory_space<vmem>> -> memref<100xi32, #tpu.memory_space<vmem>>
        %dma_wait3A_60 = arith.constant 0 : i32
        %dma_wait3A_61 = arith.constant 0 : i32
        %dma_wait3A_62 = tpu.memref_slice %arg9[%dma_wait3A_60, %dma_wait3A_61] : memref<10000x128xf32, #tpu.memory_space<vmem_shared>> -> memref<10000x128xf32, #tpu.memory_space<vmem_shared>>
        tpu.wait_indirect_dma semaphore(%run_scoped3A_50 : memref<!tpu.dma_semaphore, #tpu.memory_space<semaphore_mem>>) src(%arg7 : memref<100x128xf32, #tpu.memory_space<vmem>>) dst(%dma_wait3A_62 : memref<10000x128xf32, #tpu.memory_space<vmem_shared>>)
        tpu.yield
      }) : () -> ()
    }
    %scan3A_33 = arith.constant 100 : i32
    %barrier3A_34 = arith.constant 0 : index
    tpu.barrier barrier_id(%barrier3A_34)
    %mul3A_35 = arith.constant 625 : i32
    %mul3A_36 = arith.muli %arg1, %mul3A_35 : i32
    %mul3A_37 = arith.constant 625 : i32
    %mul3A_38 = arith.muli %arg1, %mul3A_37 : i32
    "tpu.region"() ({
      %run_scoped3A_39 = tpu.sem_alloc : memref<!tpu.dma_semaphore, #tpu.memory_space<semaphore_mem>>
      %dma_start3A = arith.constant 0 : i32
      %dma_start3A_40 = tpu.memref_slice %arg4[%arg0, %mul3A_38, %dma_start3A] : memref<2x10000x128xf32, #tpu.memory_space<hbm>> -> memref<1x625x128xf32, #tpu.memory_space<hbm>>
      %dma_start3A_41 = tpu.memref_squeeze %dma_start3A_40 : memref<1x625x128xf32, #tpu.memory_space<hbm>> -> memref<625x128xf32, #tpu.memory_space<hbm>>
      %dma_start3A_42 = arith.constant 0 : i32
      %dma_start3A_43 = tpu.memref_slice %arg9[%mul3A_36, %dma_start3A_42] : memref<10000x128xf32, #tpu.memory_space<vmem_shared>> -> memref<625x128xf32, #tpu.memory_space<vmem_shared>>
      tpu.enqueue_dma source(%dma_start3A_43 : memref<625x128xf32, #tpu.memory_space<vmem_shared>>) target(%dma_start3A_41 : memref<625x128xf32, #tpu.memory_space<hbm>>) target_semaphore(%run_scoped3A_39 : memref<!tpu.dma_semaphore, #tpu.memory_space<semaphore_mem>>)
      %dma_wait3A = arith.constant 0 : i32
      %dma_wait3A_44 = tpu.memref_slice %arg4[%arg0, %mul3A_38, %dma_wait3A] : memref<2x10000x128xf32, #tpu.memory_space<hbm>> -> memref<1x625x128xf32, #tpu.memory_space<hbm>>
      %dma_wait3A_45 = tpu.memref_squeeze %dma_wait3A_44 : memref<1x625x128xf32, #tpu.memory_space<hbm>> -> memref<625x128xf32, #tpu.memory_space<hbm>>
      %dma_wait3A_46 = arith.constant 0 : i32
      %dma_wait3A_47 = tpu.memref_slice %arg9[%mul3A_36, %dma_wait3A_46] : memref<10000x128xf32, #tpu.memory_space<vmem_shared>> -> memref<625x128xf32, #tpu.memory_space<vmem_shared>>
      tpu.wait_dma2 semaphore(%run_scoped3A_39 : memref<!tpu.dma_semaphore, #tpu.memory_space<semaphore_mem>>) src(%dma_wait3A_47 : memref<625x128xf32, #tpu.memory_space<vmem_shared>>) dst(%dma_wait3A_45 : memref<625x128xf32, #tpu.memory_space<hbm>>)
      tpu.yield
    }) : () -> ()
    return
  }
}

#map = affine_map<(d0, d1) -> (0, 0, 0, 0)>
#map1 = affine_map<(d0, d1) -> (0, 0)>
#map2 = affine_map<(d0, d1) -> (0, 0, 0)>
module attributes {stable_mosaic.version = 14 : i64} {
  func.func @_agg_body(%arg0: i32, %arg1: i32, %arg2: memref<2x32x100x100xi32, #tpu.memory_space<hbm>>, %arg3: memref<10000x128xf32, #tpu.memory_space<hbm>>, %arg4: memref<2x10000x128xf32, #tpu.memory_space<hbm>>, %arg5: memref<100x100xi32, #tpu.memory_space<vmem>>, %arg6: memref<100x100xi32, #tpu.memory_space<vmem>>, %arg7: memref<100x128xf32, #tpu.memory_space<vmem>>, %arg8: memref<125x128xf32, #tpu.memory_space<vmem>>, %arg9: memref<10000x128xf32, #tpu.memory_space<vmem_shared>>, %arg10: memref<!tpu.dma_semaphore, #tpu.memory_space<semaphore_mem>>) attributes {dimension_semantics = [#tpu.dimension_semantics<core_parallel>, #tpu.dimension_semantics<subcore_parallel>], iteration_bounds = array<i64: 2, 16>, scalar_prefetch = 0 : i64, scratch_operands = 6 : i64, tpu.core_type = #tpu.core_type<sc_vector_subcore>, window_params = [{transform_indices = #map}, {transform_indices = #map1}, {transform_indices = #map2}]} {
    %mul3A = arith.constant 16 : i32
    %mul3A_0 = arith.muli %arg0, %mul3A : i32
    %add3A = arith.addi %mul3A_0, %arg1 : i32
    %run_scoped3A = arith.constant 0 : i32
    "tpu.region"() ({
      %run_scoped3A_39 = tpu.sem_alloc : memref<!tpu.dma_semaphore, #tpu.memory_space<semaphore_mem>>
      %dma_start3A = arith.constant 0 : i32
      %dma_start3A_40 = arith.constant 0 : i32
      %dma_start3A_41 = tpu.memref_slice %arg2[%run_scoped3A, %add3A, %dma_start3A, %dma_start3A_40] : memref<2x32x100x100xi32, #tpu.memory_space<hbm>> -> memref<1x1x100x100xi32, #tpu.memory_space<hbm>>
      %dma_start3A_42 = tpu.memref_squeeze %dma_start3A_41 : memref<1x1x100x100xi32, #tpu.memory_space<hbm>> -> memref<100x100xi32, #tpu.memory_space<hbm>>
      %dma_start3A_43 = arith.constant 0 : i32
      %dma_start3A_44 = arith.constant 0 : i32
      %dma_start3A_45 = tpu.memref_slice %arg2[%run_scoped3A, %add3A, %dma_start3A_43, %dma_start3A_44] : memref<2x32x100x100xi32, #tpu.memory_space<hbm>> -> memref<1x1x100x100xi32, #tpu.memory_space<hbm>>
      %dma_start3A_46 = tpu.memref_squeeze %dma_start3A_45 : memref<1x1x100x100xi32, #tpu.memory_space<hbm>> -> memref<100x100xi32, #tpu.memory_space<hbm>>
      tpu.enqueue_dma source(%dma_start3A_46 : memref<100x100xi32, #tpu.memory_space<hbm>>) target(%arg5 : memref<100x100xi32, #tpu.memory_space<vmem>>) target_semaphore(%run_scoped3A_39 : memref<!tpu.dma_semaphore, #tpu.memory_space<semaphore_mem>>)
      %dma_wait3A = arith.constant 0 : i32
      %dma_wait3A_47 = arith.constant 0 : i32
      %dma_wait3A_48 = tpu.memref_slice %arg2[%run_scoped3A, %add3A, %dma_wait3A, %dma_wait3A_47] : memref<2x32x100x100xi32, #tpu.memory_space<hbm>> -> memref<1x1x100x100xi32, #tpu.memory_space<hbm>>
      %dma_wait3A_49 = tpu.memref_squeeze %dma_wait3A_48 : memref<1x1x100x100xi32, #tpu.memory_space<hbm>> -> memref<100x100xi32, #tpu.memory_space<hbm>>
      %dma_wait3A_50 = arith.constant 0 : i32
      %dma_wait3A_51 = arith.constant 0 : i32
      %dma_wait3A_52 = tpu.memref_slice %arg2[%run_scoped3A, %add3A, %dma_wait3A_50, %dma_wait3A_51] : memref<2x32x100x100xi32, #tpu.memory_space<hbm>> -> memref<1x1x100x100xi32, #tpu.memory_space<hbm>>
      %dma_wait3A_53 = tpu.memref_squeeze %dma_wait3A_52 : memref<1x1x100x100xi32, #tpu.memory_space<hbm>> -> memref<100x100xi32, #tpu.memory_space<hbm>>
      tpu.wait_dma2 semaphore(%run_scoped3A_39 : memref<!tpu.dma_semaphore, #tpu.memory_space<semaphore_mem>>) src(%dma_wait3A_53 : memref<100x100xi32, #tpu.memory_space<hbm>>) dst(%arg5 : memref<100x100xi32, #tpu.memory_space<vmem>>)
      tpu.yield
    }) : () -> ()
    %run_scoped3A_1 = arith.constant 1 : i32
    "tpu.region"() ({
      %run_scoped3A_39 = tpu.sem_alloc : memref<!tpu.dma_semaphore, #tpu.memory_space<semaphore_mem>>
      %dma_start3A = arith.constant 0 : i32
      %dma_start3A_40 = arith.constant 0 : i32
      %dma_start3A_41 = tpu.memref_slice %arg2[%run_scoped3A_1, %add3A, %dma_start3A, %dma_start3A_40] : memref<2x32x100x100xi32, #tpu.memory_space<hbm>> -> memref<1x1x100x100xi32, #tpu.memory_space<hbm>>
      %dma_start3A_42 = tpu.memref_squeeze %dma_start3A_41 : memref<1x1x100x100xi32, #tpu.memory_space<hbm>> -> memref<100x100xi32, #tpu.memory_space<hbm>>
      %dma_start3A_43 = arith.constant 0 : i32
      %dma_start3A_44 = arith.constant 0 : i32
      %dma_start3A_45 = tpu.memref_slice %arg2[%run_scoped3A_1, %add3A, %dma_start3A_43, %dma_start3A_44] : memref<2x32x100x100xi32, #tpu.memory_space<hbm>> -> memref<1x1x100x100xi32, #tpu.memory_space<hbm>>
      %dma_start3A_46 = tpu.memref_squeeze %dma_start3A_45 : memref<1x1x100x100xi32, #tpu.memory_space<hbm>> -> memref<100x100xi32, #tpu.memory_space<hbm>>
      tpu.enqueue_dma source(%dma_start3A_46 : memref<100x100xi32, #tpu.memory_space<hbm>>) target(%arg6 : memref<100x100xi32, #tpu.memory_space<vmem>>) target_semaphore(%run_scoped3A_39 : memref<!tpu.dma_semaphore, #tpu.memory_space<semaphore_mem>>)
      %dma_wait3A = arith.constant 0 : i32
      %dma_wait3A_47 = arith.constant 0 : i32
      %dma_wait3A_48 = tpu.memref_slice %arg2[%run_scoped3A_1, %add3A, %dma_wait3A, %dma_wait3A_47] : memref<2x32x100x100xi32, #tpu.memory_space<hbm>> -> memref<1x1x100x100xi32, #tpu.memory_space<hbm>>
      %dma_wait3A_49 = tpu.memref_squeeze %dma_wait3A_48 : memref<1x1x100x100xi32, #tpu.memory_space<hbm>> -> memref<100x100xi32, #tpu.memory_space<hbm>>
      %dma_wait3A_50 = arith.constant 0 : i32
      %dma_wait3A_51 = arith.constant 0 : i32
      %dma_wait3A_52 = tpu.memref_slice %arg2[%run_scoped3A_1, %add3A, %dma_wait3A_50, %dma_wait3A_51] : memref<2x32x100x100xi32, #tpu.memory_space<hbm>> -> memref<1x1x100x100xi32, #tpu.memory_space<hbm>>
      %dma_wait3A_53 = tpu.memref_squeeze %dma_wait3A_52 : memref<1x1x100x100xi32, #tpu.memory_space<hbm>> -> memref<100x100xi32, #tpu.memory_space<hbm>>
      tpu.wait_dma2 semaphore(%run_scoped3A_39 : memref<!tpu.dma_semaphore, #tpu.memory_space<semaphore_mem>>) src(%dma_wait3A_53 : memref<100x100xi32, #tpu.memory_space<hbm>>) dst(%arg6 : memref<100x100xi32, #tpu.memory_space<vmem>>)
      tpu.yield
    }) : () -> ()
    %broadcast_in_dim3A = arith.constant 0.000000e+00 : f32
    %broadcast_in_dim3A_2 = vector.broadcast %broadcast_in_dim3A : f32 to vector<16xf32>
    %scan3A = arith.constant 0 : i32
    %scan3A_3 = arith.constant 0 : i32
    %scan3A_4 = arith.constant 125 : i32
    %scan3A_5 = arith.addi %scan3A_3, %scan3A_4 : i32
    %scan3A_6 = arith.constant 1 : i32
    scf.for %scan3A_39 = %scan3A_3 to %scan3A_5 step %scan3A_6  : i32 {
      %swap3A = arith.index_cast %scan3A_39 : i32 to index
      %swap3A_40 = arith.constant 0 : index
      %swap3A_41 = tpu.vector_load %arg8[%swap3A, %swap3A_40] {strides = array<i32>} : memref<125x128xf32, #tpu.memory_space<vmem>>, vector<16xf32>,
      tpu.vector_store %arg8[%swap3A, %swap3A_40], %broadcast_in_dim3A_2 {strides = array<i32>} : memref<125x128xf32, #tpu.memory_space<vmem>>, vector<16xf32>,
      %swap3A_42 = arith.index_cast %scan3A_39 : i32 to index
      %swap3A_43 = arith.constant 16 : index
      %swap3A_44 = tpu.vector_load %arg8[%swap3A_42, %swap3A_43] {strides = array<i32>} : memref<125x128xf32, #tpu.memory_space<vmem>>, vector<16xf32>,
      tpu.vector_store %arg8[%swap3A_42, %swap3A_43], %broadcast_in_dim3A_2 {strides = array<i32>} : memref<125x128xf32, #tpu.memory_space<vmem>>, vector<16xf32>,
      %swap3A_45 = arith.index_cast %scan3A_39 : i32 to index
      %swap3A_46 = arith.constant 32 : index
      %swap3A_47 = tpu.vector_load %arg8[%swap3A_45, %swap3A_46] {strides = array<i32>} : memref<125x128xf32, #tpu.memory_space<vmem>>, vector<16xf32>,
      tpu.vector_store %arg8[%swap3A_45, %swap3A_46], %broadcast_in_dim3A_2 {strides = array<i32>} : memref<125x128xf32, #tpu.memory_space<vmem>>, vector<16xf32>,
      %swap3A_48 = arith.index_cast %scan3A_39 : i32 to index
      %swap3A_49 = arith.constant 48 : index
      %swap3A_50 = tpu.vector_load %arg8[%swap3A_48, %swap3A_49] {strides = array<i32>} : memref<125x128xf32, #tpu.memory_space<vmem>>, vector<16xf32>,
      tpu.vector_store %arg8[%swap3A_48, %swap3A_49], %broadcast_in_dim3A_2 {strides = array<i32>} : memref<125x128xf32, #tpu.memory_space<vmem>>, vector<16xf32>,
      %swap3A_51 = arith.index_cast %scan3A_39 : i32 to index
      %swap3A_52 = arith.constant 64 : index
      %swap3A_53 = tpu.vector_load %arg8[%swap3A_51, %swap3A_52] {strides = array<i32>} : memref<125x128xf32, #tpu.memory_space<vmem>>, vector<16xf32>,
      tpu.vector_store %arg8[%swap3A_51, %swap3A_52], %broadcast_in_dim3A_2 {strides = array<i32>} : memref<125x128xf32, #tpu.memory_space<vmem>>, vector<16xf32>,
      %swap3A_54 = arith.index_cast %scan3A_39 : i32 to index
      %swap3A_55 = arith.constant 80 : index
      %swap3A_56 = tpu.vector_load %arg8[%swap3A_54, %swap3A_55] {strides = array<i32>} : memref<125x128xf32, #tpu.memory_space<vmem>>, vector<16xf32>,
      tpu.vector_store %arg8[%swap3A_54, %swap3A_55], %broadcast_in_dim3A_2 {strides = array<i32>} : memref<125x128xf32, #tpu.memory_space<vmem>>, vector<16xf32>,
      %swap3A_57 = arith.index_cast %scan3A_39 : i32 to index
      %swap3A_58 = arith.constant 96 : index
      %swap3A_59 = tpu.vector_load %arg8[%swap3A_57, %swap3A_58] {strides = array<i32>} : memref<125x128xf32, #tpu.memory_space<vmem>>, vector<16xf32>,
      tpu.vector_store %arg8[%swap3A_57, %swap3A_58], %broadcast_in_dim3A_2 {strides = array<i32>} : memref<125x128xf32, #tpu.memory_space<vmem>>, vector<16xf32>,
      %swap3A_60 = arith.index_cast %scan3A_39 : i32 to index
      %swap3A_61 = arith.constant 112 : index
      %swap3A_62 = tpu.vector_load %arg8[%swap3A_60, %swap3A_61] {strides = array<i32>} : memref<125x128xf32, #tpu.memory_space<vmem>>, vector<16xf32>,
      tpu.vector_store %arg8[%swap3A_60, %swap3A_61], %broadcast_in_dim3A_2 {strides = array<i32>} : memref<125x128xf32, #tpu.memory_space<vmem>>, vector<16xf32>,
    }
    %scan3A_7 = arith.constant 125 : i32
    %mul3A_8 = arith.constant 625 : i32
    %mul3A_9 = arith.muli %arg1, %mul3A_8 : i32
    %add3A_10 = arith.constant 0 : i32
    %add3A_11 = arith.addi %mul3A_9, %add3A_10 : i32
    "tpu.region"() ({
      %run_scoped3A_39 = tpu.sem_alloc : memref<!tpu.dma_semaphore, #tpu.memory_space<semaphore_mem>>
      %dma_start3A = arith.constant 0 : i32
      %dma_start3A_40 = tpu.memref_slice %arg9[%add3A_11, %dma_start3A] : memref<10000x128xf32, #tpu.memory_space<vmem_shared>> -> memref<125x128xf32, #tpu.memory_space<vmem_shared>>
      %dma_start3A_41 = arith.constant 0 : i32
      %dma_start3A_42 = tpu.memref_slice %arg9[%add3A_11, %dma_start3A_41] : memref<10000x128xf32, #tpu.memory_space<vmem_shared>> -> memref<125x128xf32, #tpu.memory_space<vmem_shared>>
      tpu.enqueue_dma source(%arg8 : memref<125x128xf32, #tpu.memory_space<vmem>>) target(%dma_start3A_42 : memref<125x128xf32, #tpu.memory_space<vmem_shared>>) target_semaphore(%run_scoped3A_39 : memref<!tpu.dma_semaphore, #tpu.memory_space<semaphore_mem>>)
      %dma_wait3A = arith.constant 0 : i32
      %dma_wait3A_43 = tpu.memref_slice %arg9[%add3A_11, %dma_wait3A] : memref<10000x128xf32, #tpu.memory_space<vmem_shared>> -> memref<125x128xf32, #tpu.memory_space<vmem_shared>>
      %dma_wait3A_44 = arith.constant 0 : i32
      %dma_wait3A_45 = tpu.memref_slice %arg9[%add3A_11, %dma_wait3A_44] : memref<10000x128xf32, #tpu.memory_space<vmem_shared>> -> memref<125x128xf32, #tpu.memory_space<vmem_shared>>
      tpu.wait_dma2 semaphore(%run_scoped3A_39 : memref<!tpu.dma_semaphore, #tpu.memory_space<semaphore_mem>>) src(%arg8 : memref<125x128xf32, #tpu.memory_space<vmem>>) dst(%dma_wait3A_45 : memref<125x128xf32, #tpu.memory_space<vmem_shared>>)
      tpu.yield
    }) : () -> ()
    %mul3A_12 = arith.constant 625 : i32
    %mul3A_13 = arith.muli %arg1, %mul3A_12 : i32
    %add3A_14 = arith.constant 125 : i32
    %add3A_15 = arith.addi %mul3A_13, %add3A_14 : i32
    "tpu.region"() ({
      %run_scoped3A_39 = tpu.sem_alloc : memref<!tpu.dma_semaphore, #tpu.memory_space<semaphore_mem>>
      %dma_start3A = arith.constant 0 : i32
      %dma_start3A_40 = tpu.memref_slice %arg9[%add3A_15, %dma_start3A] : memref<10000x128xf32, #tpu.memory_space<vmem_shared>> -> memref<125x128xf32, #tpu.memory_space<vmem_shared>>
      %dma_start3A_41 = arith.constant 0 : i32
      %dma_start3A_42 = tpu.memref_slice %arg9[%add3A_15, %dma_start3A_41] : memref<10000x128xf32, #tpu.memory_space<vmem_shared>> -> memref<125x128xf32, #tpu.memory_space<vmem_shared>>
      tpu.enqueue_dma source(%arg8 : memref<125x128xf32, #tpu.memory_space<vmem>>) target(%dma_start3A_42 : memref<125x128xf32, #tpu.memory_space<vmem_shared>>) target_semaphore(%run_scoped3A_39 : memref<!tpu.dma_semaphore, #tpu.memory_space<semaphore_mem>>)
      %dma_wait3A = arith.constant 0 : i32
      %dma_wait3A_43 = tpu.memref_slice %arg9[%add3A_15, %dma_wait3A] : memref<10000x128xf32, #tpu.memory_space<vmem_shared>> -> memref<125x128xf32, #tpu.memory_space<vmem_shared>>
      %dma_wait3A_44 = arith.constant 0 : i32
      %dma_wait3A_45 = tpu.memref_slice %arg9[%add3A_15, %dma_wait3A_44] : memref<10000x128xf32, #tpu.memory_space<vmem_shared>> -> memref<125x128xf32, #tpu.memory_space<vmem_shared>>
      tpu.wait_dma2 semaphore(%run_scoped3A_39 : memref<!tpu.dma_semaphore, #tpu.memory_space<semaphore_mem>>) src(%arg8 : memref<125x128xf32, #tpu.memory_space<vmem>>) dst(%dma_wait3A_45 : memref<125x128xf32, #tpu.memory_space<vmem_shared>>)
      tpu.yield
    }) : () -> ()
    %mul3A_16 = arith.constant 625 : i32
    %mul3A_17 = arith.muli %arg1, %mul3A_16 : i32
    %add3A_18 = arith.constant 250 : i32
    %add3A_19 = arith.addi %mul3A_17, %add3A_18 : i32
    "tpu.region"() ({
      %run_scoped3A_39 = tpu.sem_alloc : memref<!tpu.dma_semaphore, #tpu.memory_space<semaphore_mem>>
      %dma_start3A = arith.constant 0 : i32
      %dma_start3A_40 = tpu.memref_slice %arg9[%add3A_19, %dma_start3A] : memref<10000x128xf32, #tpu.memory_space<vmem_shared>> -> memref<125x128xf32, #tpu.memory_space<vmem_shared>>
      %dma_start3A_41 = arith.constant 0 : i32
      %dma_start3A_42 = tpu.memref_slice %arg9[%add3A_19, %dma_start3A_41] : memref<10000x128xf32, #tpu.memory_space<vmem_shared>> -> memref<125x128xf32, #tpu.memory_space<vmem_shared>>
      tpu.enqueue_dma source(%arg8 : memref<125x128xf32, #tpu.memory_space<vmem>>) target(%dma_start3A_42 : memref<125x128xf32, #tpu.memory_space<vmem_shared>>) target_semaphore(%run_scoped3A_39 : memref<!tpu.dma_semaphore, #tpu.memory_space<semaphore_mem>>)
      %dma_wait3A = arith.constant 0 : i32
      %dma_wait3A_43 = tpu.memref_slice %arg9[%add3A_19, %dma_wait3A] : memref<10000x128xf32, #tpu.memory_space<vmem_shared>> -> memref<125x128xf32, #tpu.memory_space<vmem_shared>>
      %dma_wait3A_44 = arith.constant 0 : i32
      %dma_wait3A_45 = tpu.memref_slice %arg9[%add3A_19, %dma_wait3A_44] : memref<10000x128xf32, #tpu.memory_space<vmem_shared>> -> memref<125x128xf32, #tpu.memory_space<vmem_shared>>
      tpu.wait_dma2 semaphore(%run_scoped3A_39 : memref<!tpu.dma_semaphore, #tpu.memory_space<semaphore_mem>>) src(%arg8 : memref<125x128xf32, #tpu.memory_space<vmem>>) dst(%dma_wait3A_45 : memref<125x128xf32, #tpu.memory_space<vmem_shared>>)
      tpu.yield
    }) : () -> ()
    %mul3A_20 = arith.constant 625 : i32
    %mul3A_21 = arith.muli %arg1, %mul3A_20 : i32
    %add3A_22 = arith.constant 375 : i32
    %add3A_23 = arith.addi %mul3A_21, %add3A_22 : i32
    "tpu.region"() ({
      %run_scoped3A_39 = tpu.sem_alloc : memref<!tpu.dma_semaphore, #tpu.memory_space<semaphore_mem>>
      %dma_start3A = arith.constant 0 : i32
      %dma_start3A_40 = tpu.memref_slice %arg9[%add3A_23, %dma_start3A] : memref<10000x128xf32, #tpu.memory_space<vmem_shared>> -> memref<125x128xf32, #tpu.memory_space<vmem_shared>>
      %dma_start3A_41 = arith.constant 0 : i32
      %dma_start3A_42 = tpu.memref_slice %arg9[%add3A_23, %dma_start3A_41] : memref<10000x128xf32, #tpu.memory_space<vmem_shared>> -> memref<125x128xf32, #tpu.memory_space<vmem_shared>>
      tpu.enqueue_dma source(%arg8 : memref<125x128xf32, #tpu.memory_space<vmem>>) target(%dma_start3A_42 : memref<125x128xf32, #tpu.memory_space<vmem_shared>>) target_semaphore(%run_scoped3A_39 : memref<!tpu.dma_semaphore, #tpu.memory_space<semaphore_mem>>)
      %dma_wait3A = arith.constant 0 : i32
      %dma_wait3A_43 = tpu.memref_slice %arg9[%add3A_23, %dma_wait3A] : memref<10000x128xf32, #tpu.memory_space<vmem_shared>> -> memref<125x128xf32, #tpu.memory_space<vmem_shared>>
      %dma_wait3A_44 = arith.constant 0 : i32
      %dma_wait3A_45 = tpu.memref_slice %arg9[%add3A_23, %dma_wait3A_44] : memref<10000x128xf32, #tpu.memory_space<vmem_shared>> -> memref<125x128xf32, #tpu.memory_space<vmem_shared>>
      tpu.wait_dma2 semaphore(%run_scoped3A_39 : memref<!tpu.dma_semaphore, #tpu.memory_space<semaphore_mem>>) src(%arg8 : memref<125x128xf32, #tpu.memory_space<vmem>>) dst(%dma_wait3A_45 : memref<125x128xf32, #tpu.memory_space<vmem_shared>>)
      tpu.yield
    }) : () -> ()
    %mul3A_24 = arith.constant 625 : i32
    %mul3A_25 = arith.muli %arg1, %mul3A_24 : i32
    %add3A_26 = arith.constant 500 : i32
    %add3A_27 = arith.addi %mul3A_25, %add3A_26 : i32
    "tpu.region"() ({
      %run_scoped3A_39 = tpu.sem_alloc : memref<!tpu.dma_semaphore, #tpu.memory_space<semaphore_mem>>
      %dma_start3A = arith.constant 0 : i32
      %dma_start3A_40 = tpu.memref_slice %arg9[%add3A_27, %dma_start3A] : memref<10000x128xf32, #tpu.memory_space<vmem_shared>> -> memref<125x128xf32, #tpu.memory_space<vmem_shared>>
      %dma_start3A_41 = arith.constant 0 : i32
      %dma_start3A_42 = tpu.memref_slice %arg9[%add3A_27, %dma_start3A_41] : memref<10000x128xf32, #tpu.memory_space<vmem_shared>> -> memref<125x128xf32, #tpu.memory_space<vmem_shared>>
      tpu.enqueue_dma source(%arg8 : memref<125x128xf32, #tpu.memory_space<vmem>>) target(%dma_start3A_42 : memref<125x128xf32, #tpu.memory_space<vmem_shared>>) target_semaphore(%run_scoped3A_39 : memref<!tpu.dma_semaphore, #tpu.memory_space<semaphore_mem>>)
      %dma_wait3A = arith.constant 0 : i32
      %dma_wait3A_43 = tpu.memref_slice %arg9[%add3A_27, %dma_wait3A] : memref<10000x128xf32, #tpu.memory_space<vmem_shared>> -> memref<125x128xf32, #tpu.memory_space<vmem_shared>>
      %dma_wait3A_44 = arith.constant 0 : i32
      %dma_wait3A_45 = tpu.memref_slice %arg9[%add3A_27, %dma_wait3A_44] : memref<10000x128xf32, #tpu.memory_space<vmem_shared>> -> memref<125x128xf32, #tpu.memory_space<vmem_shared>>
      tpu.wait_dma2 semaphore(%run_scoped3A_39 : memref<!tpu.dma_semaphore, #tpu.memory_space<semaphore_mem>>) src(%arg8 : memref<125x128xf32, #tpu.memory_space<vmem>>) dst(%dma_wait3A_45 : memref<125x128xf32, #tpu.memory_space<vmem_shared>>)
      tpu.yield
    }) : () -> ()
    %barrier3A = arith.constant 0 : index
    tpu.barrier barrier_id(%barrier3A)
    %scan3A_28 = arith.constant 0 : i32
    %scan3A_29 = arith.constant 0 : i32
    %scan3A_30 = arith.constant 100 : i32
    %scan3A_31 = arith.addi %scan3A_29, %scan3A_30 : i32
    %scan3A_32 = arith.constant 1 : i32
    scf.for %scan3A_39 = %scan3A_29 to %scan3A_31 step %scan3A_32  : i32 {
      %dma_start3A = arith.constant 0 : i32
      %dma_start3A_40 = tpu.memref_slice %arg5[%scan3A_39, %dma_start3A] : memref<100x100xi32, #tpu.memory_space<vmem>> -> memref<1x100xi32, #tpu.memory_space<vmem>>
      %dma_start3A_41 = tpu.memref_squeeze %dma_start3A_40 : memref<1x100xi32, #tpu.memory_space<vmem>> -> memref<100xi32, #tpu.memory_space<vmem>>
      %dma_start3A_42 = arith.constant 0 : i32
      %dma_start3A_43 = arith.constant 0 : i32
      %dma_start3A_44 = tpu.memref_slice %arg3[%dma_start3A_42, %dma_start3A_43] : memref<10000x128xf32, #tpu.memory_space<hbm>> -> memref<10000x128xf32, #tpu.memory_space<hbm>>
      tpu.enqueue_indirect_dma source(%dma_start3A_44 : memref<10000x128xf32, #tpu.memory_space<hbm>>) target(%arg7 : memref<100x128xf32, #tpu.memory_space<vmem>>) offsets(%dma_start3A_41 : memref<100xi32, #tpu.memory_space<vmem>>) semaphore(%arg10 : memref<!tpu.dma_semaphore, #tpu.memory_space<semaphore_mem>>)
      %dma_wait3A = arith.constant 0 : i32
      %dma_wait3A_45 = tpu.memref_slice %arg5[%scan3A_39, %dma_wait3A] : memref<100x100xi32, #tpu.memory_space<vmem>> -> memref<1x100xi32, #tpu.memory_space<vmem>>
      %dma_wait3A_46 = tpu.memref_squeeze %dma_wait3A_45 : memref<1x100xi32, #tpu.memory_space<vmem>> -> memref<100xi32, #tpu.memory_space<vmem>>
      %dma_wait3A_47 = arith.constant 0 : i32
      %dma_wait3A_48 = arith.constant 0 : i32
      %dma_wait3A_49 = tpu.memref_slice %arg3[%dma_wait3A_47, %dma_wait3A_48] : memref<10000x128xf32, #tpu.memory_space<hbm>> -> memref<10000x128xf32, #tpu.memory_space<hbm>>
      tpu.wait_indirect_dma semaphore(%arg10 : memref<!tpu.dma_semaphore, #tpu.memory_space<semaphore_mem>>) src(%dma_wait3A_49 : memref<10000x128xf32, #tpu.memory_space<hbm>>) dst(%arg7 : memref<100x128xf32, #tpu.memory_space<vmem>>)
      "tpu.region"() ({
        %run_scoped3A_50 = tpu.sem_alloc : memref<!tpu.dma_semaphore, #tpu.memory_space<semaphore_mem>>
        %dma_start3A_51 = arith.constant 0 : i32
        %dma_start3A_52 = tpu.memref_slice %arg6[%scan3A_39, %dma_start3A_51] : memref<100x100xi32, #tpu.memory_space<vmem>> -> memref<1x100xi32, #tpu.memory_space<vmem>>
        %dma_start3A_53 = tpu.memref_squeeze %dma_start3A_52 : memref<1x100xi32, #tpu.memory_space<vmem>> -> memref<100xi32, #tpu.memory_space<vmem>>
        %dma_start3A_54 = arith.constant 0 : i32
        %dma_start3A_55 = arith.constant 0 : i32
        %dma_start3A_56 = tpu.memref_slice %arg9[%dma_start3A_54, %dma_start3A_55] : memref<10000x128xf32, #tpu.memory_space<vmem_shared>> -> memref<10000x128xf32, #tpu.memory_space<vmem_shared>>
        tpu.enqueue_indirect_dma source(%arg7 : memref<100x128xf32, #tpu.memory_space<vmem>>) target(%dma_start3A_56 : memref<10000x128xf32, #tpu.memory_space<vmem_shared>>) offsets(%dma_start3A_53 : memref<100xi32, #tpu.memory_space<vmem>>) semaphore(%run_scoped3A_50 : memref<!tpu.dma_semaphore, #tpu.memory_space<semaphore_mem>>) {add = true}
        %dma_wait3A_57 = arith.constant 0 : i32
        %dma_wait3A_58 = tpu.memref_slice %arg6[%scan3A_39, %dma_wait3A_57] : memref<100x100xi32, #tpu.memory_space<vmem>> -> memref<1x100xi32, #tpu.memory_space<vmem>>
        %dma_wait3A_59 = tpu.memref_squeeze %dma_wait3A_58 : memref<1x100xi32, #tpu.memory_space<vmem>> -> memref<100xi32, #tpu.memory_space<vmem>>
        %dma_wait3A_60 = arith.constant 0 : i32
        %dma_wait3A_61 = arith.constant 0 : i32
        %dma_wait3A_62 = tpu.memref_slice %arg9[%dma_wait3A_60, %dma_wait3A_61] : memref<10000x128xf32, #tpu.memory_space<vmem_shared>> -> memref<10000x128xf32, #tpu.memory_space<vmem_shared>>
        tpu.wait_indirect_dma semaphore(%run_scoped3A_50 : memref<!tpu.dma_semaphore, #tpu.memory_space<semaphore_mem>>) src(%arg7 : memref<100x128xf32, #tpu.memory_space<vmem>>) dst(%dma_wait3A_62 : memref<10000x128xf32, #tpu.memory_space<vmem_shared>>)
        tpu.yield
      }) : () -> ()
    }
    %scan3A_33 = arith.constant 100 : i32
    %barrier3A_34 = arith.constant 0 : index
    tpu.barrier barrier_id(%barrier3A_34)
    %mul3A_35 = arith.constant 625 : i32
    %mul3A_36 = arith.muli %arg1, %mul3A_35 : i32
    %mul3A_37 = arith.constant 625 : i32
    %mul3A_38 = arith.muli %arg1, %mul3A_37 : i32
    "tpu.region"() ({
      %run_scoped3A_39 = tpu.sem_alloc : memref<!tpu.dma_semaphore, #tpu.memory_space<semaphore_mem>>
      %dma_start3A = arith.constant 0 : i32
      %dma_start3A_40 = tpu.memref_slice %arg4[%arg0, %mul3A_38, %dma_start3A] : memref<2x10000x128xf32, #tpu.memory_space<hbm>> -> memref<1x625x128xf32, #tpu.memory_space<hbm>>
      %dma_start3A_41 = tpu.memref_squeeze %dma_start3A_40 : memref<1x625x128xf32, #tpu.memory_space<hbm>> -> memref<625x128xf32, #tpu.memory_space<hbm>>
      %dma_start3A_42 = arith.constant 0 : i32
      %dma_start3A_43 = tpu.memref_slice %arg9[%mul3A_36, %dma_start3A_42] : memref<10000x128xf32, #tpu.memory_space<vmem_shared>> -> memref<625x128xf32, #tpu.memory_space<vmem_shared>>
      tpu.enqueue_dma source(%dma_start3A_43 : memref<625x128xf32, #tpu.memory_space<vmem_shared>>) target(%dma_start3A_41 : memref<625x128xf32, #tpu.memory_space<hbm>>) target_semaphore(%run_scoped3A_39 : memref<!tpu.dma_semaphore, #tpu.memory_space<semaphore_mem>>)
      %dma_wait3A = arith.constant 0 : i32
      %dma_wait3A_44 = tpu.memref_slice %arg4[%arg0, %mul3A_38, %dma_wait3A] : memref<2x10000x128xf32, #tpu.memory_space<hbm>> -> memref<1x625x128xf32, #tpu.memory_space<hbm>>
      %dma_wait3A_45 = tpu.memref_squeeze %dma_wait3A_44 : memref<1x625x128xf32, #tpu.memory_space<hbm>> -> memref<625x128xf32, #tpu.memory_space<hbm>>
      %dma_wait3A_46 = arith.constant 0 : i32
      %dma_wait3A_47 = tpu.memref_slice %arg9[%mul3A_36, %dma_wait3A_46] : memref<10000x128xf32, #tpu.memory_space<vmem_shared>> -> memref<625x128xf32, #tpu.memory_space<vmem_shared>>
      tpu.wait_dma2 semaphore(%run_scoped3A_39 : memref<!tpu.dma_semaphore, #tpu.memory_space<semaphore_mem>>) src(%dma_wait3A_47 : memref<625x128xf32, #tpu.memory_space<vmem_shared>>) dst(%dma_wait3A_45 : memref<625x128xf32, #tpu.memory_space<hbm>>)
      tpu.yield
    }) : () -> ()
    return
  }
}

module attributes {stable_mosaic.version = 14 : i64} {
  func.func @_dinv_body(%arg0: memref<32x10000xf32, #tpu.memory_space<vmem>>, %arg1: memref<10000x1xf32, #tpu.memory_space<vmem>>) attributes {dimension_semantics = [], scalar_prefetch = 0 : i64, scratch_operands = 0 : i64, tpu.core_type = #tpu.core_type<tc>} {
    %get3A = arith.constant 0 : index
    %get3A_0 = arith.constant 0 : index
    %get3A_1 = vector.load %arg0[%get3A, %get3A_0] : memref<32x10000xf32, #tpu.memory_space<vmem>>, vector<32x10000xf32>
    %reduce_sum3A = arith.constant dense<0.000000e+00> : vector<10000xf32>
    %reduce_sum3A_2 = vector.multi_reduction <add>, %get3A_1, %reduce_sum3A [0] : vector<32x10000xf32> to vector<10000xf32>
    %add3A = arith.constant 1.000000e+00 : f32
    %add3A_3 = vector.broadcast %add3A : f32 to vector<10000xf32>
    %add3A_4 = arith.addf %add3A_3, %reduce_sum3A_2 : vector<10000xf32>
    %rsqrt3A = math.rsqrt %add3A_4 : vector<10000xf32>
    %broadcast_in_dim3A = vector.shape_cast %rsqrt3A : vector<10000xf32> to vector<10000x1xf32>
    %swap3A = arith.constant 0 : index
    %swap3A_5 = arith.constant 0 : index
    %swap3A_6 = vector.load %arg1[%swap3A, %swap3A_5] : memref<10000x1xf32, #tpu.memory_space<vmem>>, vector<10000x1xf32>
    tpu.vector_store %arg1[%swap3A, %swap3A_5], %broadcast_in_dim3A {strides = array<i32>} : memref<10000x1xf32, #tpu.memory_space<vmem>>, vector<10000x1xf32>,
    return
  }
}

module attributes {stable_mosaic.version = 14 : i64} {
  func.func @_mm1_body(%arg0: i32, %arg1: memref<1000x128xf32, #tpu.memory_space<vmem>>, %arg2: memref<128x128xf32, #tpu.memory_space<vmem>>, %arg3: memref<1000x1xf32, #tpu.memory_space<vmem>>, %arg4: memref<1000x128xf32, #tpu.memory_space<vmem>>) attributes {dimension_semantics = [#tpu.dimension_semantics<arbitrary>], iteration_bounds = array<i64: 10>, scalar_prefetch = 0 : i64, scratch_operands = 0 : i64, tpu.core_type = #tpu.core_type<tc>, window_params = [{transform_indices = @transform_0, window_bounds = array<i64: 1000, 128>}, {pipeline_mode = #tpu.pipeline_mode<synchronous>, transform_indices = @transform_1, window_bounds = array<i64: 128, 128>}, {transform_indices = @transform_2, window_bounds = array<i64: 1000, 1>}, {transform_indices = @transform_3, window_bounds = array<i64: 1000, 128>}]} {
    %get3A = arith.constant 0 : index
    %get3A_0 = arith.constant 0 : index
    %get3A_1 = vector.load %arg1[%get3A, %get3A_0] : memref<1000x128xf32, #tpu.memory_space<vmem>>, vector<1000x128xf32>
    %get3A_2 = arith.constant 0 : index
    %get3A_3 = arith.constant 0 : index
    %get3A_4 = vector.load %arg2[%get3A_2, %get3A_3] : memref<128x128xf32, #tpu.memory_space<vmem>>, vector<128x128xf32>
    %dot_general3A = arith.constant dense<0.000000e+00> : vector<1000x128xf32>
    %dot_general3A_5 = tpu.matmul %get3A_1, %get3A_4, %dot_general3A {dimension_numbers = #tpu.dot_dimension_numbers<[1], [0], [0], [1], [0, 0, 1, 1], [], []>, transpose_lhs_hint = false} : vector<1000x128xf32>, vector<128x128xf32>, vector<1000x128xf32> -> vector<1000x128xf32>
    %get3A_6 = arith.constant 0 : index
    %get3A_7 = arith.constant 0 : index
    %get3A_8 = vector.load %arg3[%get3A_6, %get3A_7] : memref<1000x1xf32, #tpu.memory_space<vmem>>, vector<1000x1xf32>
    %mul3A = vector.broadcast %get3A_8 : vector<1000x1xf32> to vector<1000x128xf32>
    %mul3A_9 = arith.mulf %dot_general3A_5, %mul3A : vector<1000x128xf32>
    %swap3A = arith.constant 0 : index
    %swap3A_10 = arith.constant 0 : index
    %swap3A_11 = vector.load %arg4[%swap3A, %swap3A_10] : memref<1000x128xf32, #tpu.memory_space<vmem>>, vector<1000x128xf32>
    tpu.vector_store %arg4[%swap3A, %swap3A_10], %mul3A_9 {strides = array<i32>} : memref<1000x128xf32, #tpu.memory_space<vmem>>, vector<1000x128xf32>,
    return
  }
  func.func @transform_0(%arg0: i32) -> (i32, i32) {
    %c0_i32 = arith.constant 0 : i32
    %c0_i32_0 = arith.constant 0 : i32
    return %arg0, %c0_i32 : i32, i32
  }
  func.func @transform_1(%arg0: i32) -> (i32, i32) {
    %c0_i32 = arith.constant 0 : i32
    %c0_i32_0 = arith.constant 0 : i32
    %c0_i32_1 = arith.constant 0 : i32
    return %c0_i32, %c0_i32_0 : i32, i32
  }
  func.func @transform_2(%arg0: i32) -> (i32, i32) {
    %c0_i32 = arith.constant 0 : i32
    %c0_i32_0 = arith.constant 0 : i32
    return %arg0, %c0_i32 : i32, i32
  }
  func.func @transform_3(%arg0: i32) -> (i32, i32) {
    %c0_i32 = arith.constant 0 : i32
    %c0_i32_0 = arith.constant 0 : i32
    return %arg0, %c0_i32 : i32, i32
  }
}

module attributes {stable_mosaic.version = 14 : i64} {
  func.func @_mm2_body(%arg0: i32, %arg1: memref<2x1000x128xf32, #tpu.memory_space<vmem>>, %arg2: memref<1000x128xf32, #tpu.memory_space<vmem>>, %arg3: memref<1000x1xf32, #tpu.memory_space<vmem>>, %arg4: memref<1x128xf32, #tpu.memory_space<vmem>>, %arg5: memref<128x128xf32, #tpu.memory_space<vmem>>, %arg6: memref<1000x128xf32, #tpu.memory_space<vmem>>) attributes {dimension_semantics = [#tpu.dimension_semantics<arbitrary>], iteration_bounds = array<i64: 10>, scalar_prefetch = 0 : i64, scratch_operands = 0 : i64, tpu.core_type = #tpu.core_type<tc>, window_params = [{transform_indices = @transform_0, window_bounds = array<i64: 2, 1000, 128>}, {transform_indices = @transform_1, window_bounds = array<i64: 1000, 128>}, {transform_indices = @transform_2, window_bounds = array<i64: 1000, 1>}, {pipeline_mode = #tpu.pipeline_mode<synchronous>, transform_indices = @transform_3, window_bounds = array<i64: 1, 128>}, {pipeline_mode = #tpu.pipeline_mode<synchronous>, transform_indices = @transform_4, window_bounds = array<i64: 128, 128>}, {transform_indices = @transform_5, window_bounds = array<i64: 1000, 128>}]} {
    %get3A = arith.constant 0 : index
    %get3A_0 = arith.constant 0 : index
    %get3A_1 = vector.load %arg3[%get3A, %get3A_0] : memref<1000x1xf32, #tpu.memory_space<vmem>>, vector<1000x1xf32>
    %get3A_2 = arith.constant 0 : index
    %get3A_3 = arith.constant 0 : index
    %get3A_4 = vector.load %arg2[%get3A_2, %get3A_3] : memref<1000x128xf32, #tpu.memory_space<vmem>>, vector<1000x128xf32>
    %get3A_5 = arith.constant 0 : index
    %get3A_6 = arith.constant 0 : index
    %get3A_7 = arith.constant 0 : index
    %get3A_8 = vector.load %arg1[%get3A_5, %get3A_6, %get3A_7] : memref<2x1000x128xf32, #tpu.memory_space<vmem>>, vector<1x1000x128xf32>
    %get3A_9 = vector.shape_cast %get3A_8 : vector<1x1000x128xf32> to vector<1000x128xf32>
    %add3A = arith.addf %get3A_4, %get3A_9 : vector<1000x128xf32>
    %get3A_10 = arith.constant 1 : index
    %get3A_11 = arith.constant 0 : index
    %get3A_12 = arith.constant 0 : index
    %get3A_13 = vector.load %arg1[%get3A_10, %get3A_11, %get3A_12] : memref<2x1000x128xf32, #tpu.memory_space<vmem>>, vector<1x1000x128xf32>
    %get3A_14 = vector.shape_cast %get3A_13 : vector<1x1000x128xf32> to vector<1000x128xf32>
    %add3A_15 = arith.addf %add3A, %get3A_14 : vector<1000x128xf32>
    %mul3A = vector.broadcast %get3A_1 : vector<1000x1xf32> to vector<1000x128xf32>
    %mul3A_16 = arith.mulf %add3A_15, %mul3A : vector<1000x128xf32>
    %get3A_17 = arith.constant 0 : index
    %get3A_18 = arith.constant 0 : index
    %get3A_19 = vector.load %arg4[%get3A_17, %get3A_18] : memref<1x128xf32, #tpu.memory_space<vmem>>, vector<1x128xf32>
    %add3A_20 = vector.broadcast %get3A_19 : vector<1x128xf32> to vector<1000x128xf32>
    %add3A_21 = arith.addf %mul3A_16, %add3A_20 : vector<1000x128xf32>
    %max3A = arith.constant 0.000000e+00 : f32
    %max3A_22 = vector.broadcast %max3A : f32 to vector<1000x128xf32>
    %max3A_23 = arith.maximumf %add3A_21, %max3A_22 : vector<1000x128xf32>
    %get3A_24 = arith.constant 0 : index
    %get3A_25 = arith.constant 0 : index
    %get3A_26 = vector.load %arg5[%get3A_24, %get3A_25] : memref<128x128xf32, #tpu.memory_space<vmem>>, vector<128x128xf32>
    %dot_general3A = arith.constant dense<0.000000e+00> : vector<1000x128xf32>
    %dot_general3A_27 = tpu.matmul %max3A_23, %get3A_26, %dot_general3A {dimension_numbers = #tpu.dot_dimension_numbers<[1], [0], [0], [1], [0, 0, 1, 1], [], []>, transpose_lhs_hint = false} : vector<1000x128xf32>, vector<128x128xf32>, vector<1000x128xf32> -> vector<1000x128xf32>
    %mul3A_28 = vector.broadcast %get3A_1 : vector<1000x1xf32> to vector<1000x128xf32>
    %mul3A_29 = arith.mulf %dot_general3A_27, %mul3A_28 : vector<1000x128xf32>
    %swap3A = arith.constant 0 : index
    %swap3A_30 = arith.constant 0 : index
    %swap3A_31 = vector.load %arg6[%swap3A, %swap3A_30] : memref<1000x128xf32, #tpu.memory_space<vmem>>, vector<1000x128xf32>
    tpu.vector_store %arg6[%swap3A, %swap3A_30], %mul3A_29 {strides = array<i32>} : memref<1000x128xf32, #tpu.memory_space<vmem>>, vector<1000x128xf32>,
    return
  }
  func.func @transform_0(%arg0: i32) -> (i32, i32, i32) {
    %c0_i32 = arith.constant 0 : i32
    %c0_i32_0 = arith.constant 0 : i32
    %c0_i32_1 = arith.constant 0 : i32
    return %c0_i32, %arg0, %c0_i32_0 : i32, i32, i32
  }
  func.func @transform_1(%arg0: i32) -> (i32, i32) {
    %c0_i32 = arith.constant 0 : i32
    %c0_i32_0 = arith.constant 0 : i32
    return %arg0, %c0_i32 : i32, i32
  }
  func.func @transform_2(%arg0: i32) -> (i32, i32) {
    %c0_i32 = arith.constant 0 : i32
    %c0_i32_0 = arith.constant 0 : i32
    return %arg0, %c0_i32 : i32, i32
  }
  func.func @transform_3(%arg0: i32) -> (i32, i32) {
    %c0_i32 = arith.constant 0 : i32
    %c0_i32_0 = arith.constant 0 : i32
    %c0_i32_1 = arith.constant 0 : i32
    return %c0_i32, %c0_i32_0 : i32, i32
  }
  func.func @transform_4(%arg0: i32) -> (i32, i32) {
    %c0_i32 = arith.constant 0 : i32
    %c0_i32_0 = arith.constant 0 : i32
    %c0_i32_1 = arith.constant 0 : i32
    return %c0_i32, %c0_i32_0 : i32, i32
  }
  func.func @transform_5(%arg0: i32) -> (i32, i32) {
    %c0_i32 = arith.constant 0 : i32
    %c0_i32_0 = arith.constant 0 : i32
    return %arg0, %c0_i32 : i32, i32
  }
}

module attributes {stable_mosaic.version = 14 : i64} {
  func.func @_mm3_body(%arg0: i32, %arg1: memref<2x1000x128xf32, #tpu.memory_space<vmem>>, %arg2: memref<1000x128xf32, #tpu.memory_space<vmem>>, %arg3: memref<1000x1xf32, #tpu.memory_space<vmem>>, %arg4: memref<1x128xf32, #tpu.memory_space<vmem>>, %arg5: memref<128x128xf32, #tpu.memory_space<vmem>>, %arg6: memref<1x128xf32, #tpu.memory_space<vmem>>, %arg7: memref<1000x128xf32, #tpu.memory_space<vmem>>) attributes {dimension_semantics = [#tpu.dimension_semantics<arbitrary>], iteration_bounds = array<i64: 10>, scalar_prefetch = 0 : i64, scratch_operands = 0 : i64, tpu.core_type = #tpu.core_type<tc>, window_params = [{transform_indices = @transform_0, window_bounds = array<i64: 2, 1000, 128>}, {transform_indices = @transform_1, window_bounds = array<i64: 1000, 128>}, {transform_indices = @transform_2, window_bounds = array<i64: 1000, 1>}, {pipeline_mode = #tpu.pipeline_mode<synchronous>, transform_indices = @transform_3, window_bounds = array<i64: 1, 128>}, {pipeline_mode = #tpu.pipeline_mode<synchronous>, transform_indices = @transform_4, window_bounds = array<i64: 128, 128>}, {pipeline_mode = #tpu.pipeline_mode<synchronous>, transform_indices = @transform_5, window_bounds = array<i64: 1, 128>}, {transform_indices = @transform_6, window_bounds = array<i64: 1000, 128>}]} {
    %get3A = arith.constant 0 : index
    %get3A_0 = arith.constant 0 : index
    %get3A_1 = vector.load %arg2[%get3A, %get3A_0] : memref<1000x128xf32, #tpu.memory_space<vmem>>, vector<1000x128xf32>
    %get3A_2 = arith.constant 0 : index
    %get3A_3 = arith.constant 0 : index
    %get3A_4 = arith.constant 0 : index
    %get3A_5 = vector.load %arg1[%get3A_2, %get3A_3, %get3A_4] : memref<2x1000x128xf32, #tpu.memory_space<vmem>>, vector<1x1000x128xf32>
    %get3A_6 = vector.shape_cast %get3A_5 : vector<1x1000x128xf32> to vector<1000x128xf32>
    %add3A = arith.addf %get3A_1, %get3A_6 : vector<1000x128xf32>
    %get3A_7 = arith.constant 1 : index
    %get3A_8 = arith.constant 0 : index
    %get3A_9 = arith.constant 0 : index
    %get3A_10 = vector.load %arg1[%get3A_7, %get3A_8, %get3A_9] : memref<2x1000x128xf32, #tpu.memory_space<vmem>>, vector<1x1000x128xf32>
    %get3A_11 = vector.shape_cast %get3A_10 : vector<1x1000x128xf32> to vector<1000x128xf32>
    %add3A_12 = arith.addf %add3A, %get3A_11 : vector<1000x128xf32>
    %get3A_13 = arith.constant 0 : index
    %get3A_14 = arith.constant 0 : index
    %get3A_15 = vector.load %arg3[%get3A_13, %get3A_14] : memref<1000x1xf32, #tpu.memory_space<vmem>>, vector<1000x1xf32>
    %mul3A = vector.broadcast %get3A_15 : vector<1000x1xf32> to vector<1000x128xf32>
    %mul3A_16 = arith.mulf %add3A_12, %mul3A : vector<1000x128xf32>
    %get3A_17 = arith.constant 0 : index
    %get3A_18 = arith.constant 0 : index
    %get3A_19 = vector.load %arg4[%get3A_17, %get3A_18] : memref<1x128xf32, #tpu.memory_space<vmem>>, vector<1x128xf32>
    %add3A_20 = vector.broadcast %get3A_19 : vector<1x128xf32> to vector<1000x128xf32>
    %add3A_21 = arith.addf %mul3A_16, %add3A_20 : vector<1000x128xf32>
    %get3A_22 = arith.constant 0 : index
    %get3A_23 = arith.constant 0 : index
    %get3A_24 = vector.load %arg5[%get3A_22, %get3A_23] : memref<128x128xf32, #tpu.memory_space<vmem>>, vector<128x128xf32>
    %dot_general3A = arith.constant dense<0.000000e+00> : vector<1000x128xf32>
    %dot_general3A_25 = tpu.matmul %add3A_21, %get3A_24, %dot_general3A {dimension_numbers = #tpu.dot_dimension_numbers<[1], [0], [0], [1], [0, 0, 1, 1], [], []>, transpose_lhs_hint = false} : vector<1000x128xf32>, vector<128x128xf32>, vector<1000x128xf32> -> vector<1000x128xf32>
    %get3A_26 = arith.constant 0 : index
    %get3A_27 = arith.constant 0 : index
    %get3A_28 = vector.load %arg6[%get3A_26, %get3A_27] : memref<1x128xf32, #tpu.memory_space<vmem>>, vector<1x128xf32>
    %add3A_29 = vector.broadcast %get3A_28 : vector<1x128xf32> to vector<1000x128xf32>
    %add3A_30 = arith.addf %dot_general3A_25, %add3A_29 : vector<1000x128xf32>
    %swap3A = arith.constant 0 : index
    %swap3A_31 = arith.constant 0 : index
    %swap3A_32 = vector.load %arg7[%swap3A, %swap3A_31] : memref<1000x128xf32, #tpu.memory_space<vmem>>, vector<1000x128xf32>
    tpu.vector_store %arg7[%swap3A, %swap3A_31], %add3A_30 {strides = array<i32>} : memref<1000x128xf32, #tpu.memory_space<vmem>>, vector<1000x128xf32>,
    return
  }
  func.func @transform_0(%arg0: i32) -> (i32, i32, i32) {
    %c0_i32 = arith.constant 0 : i32
    %c0_i32_0 = arith.constant 0 : i32
    %c0_i32_1 = arith.constant 0 : i32
    return %c0_i32, %arg0, %c0_i32_0 : i32, i32, i32
  }
  func.func @transform_1(%arg0: i32) -> (i32, i32) {
    %c0_i32 = arith.constant 0 : i32
    %c0_i32_0 = arith.constant 0 : i32
    return %arg0, %c0_i32 : i32, i32
  }
  func.func @transform_2(%arg0: i32) -> (i32, i32) {
    %c0_i32 = arith.constant 0 : i32
    %c0_i32_0 = arith.constant 0 : i32
    return %arg0, %c0_i32 : i32, i32
  }
  func.func @transform_3(%arg0: i32) -> (i32, i32) {
    %c0_i32 = arith.constant 0 : i32
    %c0_i32_0 = arith.constant 0 : i32
    %c0_i32_1 = arith.constant 0 : i32
    return %c0_i32, %c0_i32_0 : i32, i32
  }
  func.func @transform_4(%arg0: i32) -> (i32, i32) {
    %c0_i32 = arith.constant 0 : i32
    %c0_i32_0 = arith.constant 0 : i32
    %c0_i32_1 = arith.constant 0 : i32
    return %c0_i32, %c0_i32_0 : i32, i32
  }
  func.func @transform_5(%arg0: i32) -> (i32, i32) {
    %c0_i32 = arith.constant 0 : i32
    %c0_i32_0 = arith.constant 0 : i32
    %c0_i32_1 = arith.constant 0 : i32
    return %c0_i32, %c0_i32_0 : i32, i32
  }
  func.func @transform_6(%arg0: i32) -> (i32, i32) {
    %c0_i32 = arith.constant 0 : i32
    %c0_i32_0 = arith.constant 0 : i32
    return %arg0, %c0_i32 : i32, i32
  }
}

</mosaic_0001>

<sc_bundles>
// kernel: kernel.12.cloned.1.call-start
scs
__scs_entry_jumppad:
0x0: {  	(pc) =	sbr.rel $0x88, $3  }
0x1: {  	(tag) =	ssettag $0x0;
	lr =	simm.s32 $0x1  }
0x2: {  	[smem:$0x3F99] =	sst lr;
	_ =	strace $0xD0000000  }
0x3: {  	_ = 	snop  }
0x4: {  	_ = 	snop  }
0x5: {  	_ = 	snop  }
0x6: {  	_ = 	snop  }
0x7: {  	_ = 	snop  }
__scs_overlays_trampoline_lowered:
0x8: {  	[smem:$0x3FA8] =	sst s0  }
0x9: {  	[smem:$0x3FA9] =	sst s1  }
0xa: {  	[smem:$0x3FAA] =	sst s2  }
0xb: {  	[smem:$0x3FAB] =	sst s3  }
0xc: {  	[smem:$0x3FAC] =	sst s4  }
0xd: {  	[smem:$0x3FAD] =	sst s5  }
0xe: {  	[smem:$0x3FAE] =	sst s6  }
0xf: {  	[smem:$0x3FAF] =	sst s7  }
0x10: {  	[smem:$0x3FB0] =	sst s8  }
0x11: {  	[smem:$0x3FB1] =	sst s9;
	s0 =	simm.s32 @!p0 $0x0  }
0x12: {  	s1 =	sld [smem:$0x3F97];
	s0 =	simm.s32 @p0 $0x1  }
0x13: {  	[smem:$0x3FB2] =	sst s0;
	s0 =	simm.s32 @!p1 $0x0  }
0x14: {  	s2 =	sld [smem:$0x3F96];
	s0 =	simm.s32 @p1 $0x1  }
0x15: {  	[smem:$0x3FB3] =	sst s0;
	s0 =	simm.s32 @!p2 $0x0  }
0x16: {  	s3 =	sld [smem:$0x3FDB];
	s0 =	simm.s32 @p2 $0x1  }
0x17: {  	s4 =	simm.s32 $0x1BF5;
	[smem:$0x3FB5] =	sst s0  }
0x18: {  	s0 =	sld [smem:$0x3F98];
	_ =	swait.ge [sflag:s4], $0x0  }
0x19: {  	s7 =	sld [smem:$0x3F99]  }
0x1a: {  	s8 =	sadd.s32 $0xFFFFE003, lr  }
0x1b: {  	s9 =	sadd.s32 $0xFFFFFEF7, lr;
	s5 =	simm.s32 $0xFFFFFFFF;
	p2 =	slt.u32 s8, $0xFFFFF086  }
0x1c: {  	p1 =	slt.u32 s9, $0xF7A;
	s5 =	simm.s32 @!p2 $0x0  }
0x1d: {  	s5 =	simm.s32 @p1 $0x1;
	p0 =	seq.s32 s7, s2  }
0x1e: {  	s7 =	smul.u32 @!p0 $0xF7A, s2;
	p2 =	seq.s32 @!p0 s5, $0x0  }
0x1f: {  	s9 =	smul.u32 $0xF7A, s1;
	s8 =	simm.s32 @!p0 $0x1BF5;
	p2 =	por !p2, p0  }
0x20: {  	[sflag:s8] =	ssyncset.s32 @!p0 $0xFFFFF086;
	s6 =	sadd.s32 @!p0 s3, s7;
	s7 =	simm.s32 @!p0 $0x108  }
0x21: {  	s3 =	sadd.s32 s3, s9;
	s6 =	sadd.s32 @!p0 $0x88, s6;
	s7 =	simm.s32 @p2 $0x1082  }
0x22: {  	[simem:s7], [sflag:s8] =	dma.local @!p0 [hbm:s6], $0xF7A  }
0x23: {  	s9 =	sor.u32 $0xD0000000, s2;
	s6 =	simm.s32 $0x108;
	_ =	swait.ge @!p0 [sflag:s8], $0x0  }
0x24: {  	s3 =	sadd.s32 $0x88, s3;
	s6 =	simm.s32 @!p1 $0x1082;
	[sflag:s4] =	ssyncset.s32 $0xFFFFF086  }
0x25: {  	[simem:s6], [sflag:s4] =	dma.local [hbm:s3], $0xF7A  }
0x26: {  	[smem:$0x3F99] =	sst s1;
	(tag) =	ssettag s2;
	_ =	strace s9  }
0x27: {  	s1 =	sld [smem:$0x3FA9]  }
0x28: {  	s2 =	sld [smem:$0x3FAA]  }
0x29: {  	s4 =	sld [smem:$0x3FAC]  }
0x2a: {  	p0 =	seq.s32 s5, $0x0;
	s5 =	sld [smem:$0x3FAD]  }
0x2b: {  	s6 =	sld [smem:$0x3FAE]  }
0x2c: {  	s7 =	sld [smem:$0x3FAF]  }
0x2d: {  	s3 =	simm.s32 $0x108;
	s8 =	sld [smem:$0x3FB0]  }
0x2e: {  	s3 =	simm.s32 @!p0 $0x1082;
	s9 =	sld [smem:$0x3FB1]  }
0x2f: {  	lr =	sadd.s32 s0, s3;
	s0 =	sld [smem:$0x3FA8]  }
0x30: {  	s3 =	sld [smem:$0x3FAB]  }
0x31: {  	[smem:$0x3FB4] =	sst s10  }
0x32: {  	s10 =	sld [smem:$0x3FB2];
	_ =	sdelay $0x3  }
0x33: {  	p0 =	seq.s32 s10, $0x1;
	s10 =	sld [smem:$0x3FB4];
	_ =	sdelay $0x3  }
0x34: {  	[smem:$0x3FB4] =	sst s10  }
0x35: {  	s10 =	sld [smem:$0x3FB3];
	_ =	sdelay $0x3  }
0x36: {  	p1 =	seq.s32 s10, $0x1;
	s10 =	sld [smem:$0x3FB4];
	_ =	sdelay $0x3  }
0x37: {  	[smem:$0x3FB4] =	sst s10  }
0x38: {  	s10 =	sld [smem:$0x3FB5]  }
0x39: {  	_ = 	snop;
	(pc) =	sbr.ind lr, $3  }
0x3a: {  	_ = 	snop  }
0x3b: {  	_ = 	snop  }
0x3c: {  	p2 =	seq.s32 s10, $0x1;
	s10 =	sld [smem:$0x3FB4]  }
0x3d: {  	_ =	shalt  }
0x3e: {  	_ =	shalt  }
0x3f: {  	_ =	shalt  }
0x40: {  	_ =	shalt  }
0x41: {  	_ =	shalt  }
0x42: {  	_ =	shalt  }
0x43: {  	_ =	shalt  }
0x44: {  	_ =	shalt  }
0x45: {  	_ =	shalt  }
0x46: {  	_ =	shalt  }
0x47: {  	_ =	shalt  }
0x48: {  	_ =	shalt  }
0x49: {  	_ =	shalt  }
0x4a: {  	_ =	shalt  }
0x4b: {  	_ =	shalt  }
0x4c: {  	_ =	shalt  }
0x4d: {  	_ =	shalt  }
0x4e: {  	_ =	shalt  }
0x4f: {  	_ =	shalt  }
0x50: {  	_ =	shalt  }
0x51: {  	_ =	shalt  }
0x52: {  	_ =	shalt  }
0x53: {  	_ =	shalt  }
0x54: {  	_ =	shalt  }
0x55: {  	_ =	shalt  }
0x56: {  	_ =	shalt  }
0x57: {  	_ =	shalt  }
0x58: {  	_ =	shalt  }
0x59: {  	_ =	shalt  }
0x5a: {  	_ =	shalt  }
0x5b: {  	_ =	shalt  }
0x5c: {  	_ =	shalt  }
0x5d: {  	_ =	shalt  }
0x5e: {  	_ =	shalt  }
0x5f: {  	_ =	shalt  }
0x60: {  	_ =	shalt  }
0x61: {  	_ =	shalt  }
0x62: {  	_ =	shalt  }
0x63: {  	_ =	shalt  }
0x64: {  	_ =	shalt  }
0x65: {  	_ =	shalt  }
0x66: {  	_ =	shalt  }
0x67: {  	_ =	shalt  }
0x68: {  	_ =	shalt  }
0x69: {  	_ =	shalt  }
0x6a: {  	_ =	shalt  }
0x6b: {  	_ =	shalt  }
0x6c: {  	_ =	shalt  }
0x6d: {  	_ =	shalt  }
0x6e: {  	_ =	shalt  }
0x6f: {  	_ =	shalt  }
0x70: {  	_ =	shalt  }
0x71: {  	_ =	shalt  }
0x72: {  	_ =	shalt  }
0x73: {  	_ =	shalt  }
0x74: {  	_ =	shalt  }
0x75: {  	_ =	shalt  }
0x76: {  	_ =	shalt  }
0x77: {  	_ =	shalt  }
0x78: {  	_ =	shalt  }
0x79: {  	_ =	shalt  }
0x7a: {  	_ =	shalt  }
0x7b: {  	_ =	shalt  }
0x7c: {  	_ =	shalt  }
0x7d: {  	_ =	shalt  }
0x7e: {  	_ =	shalt  }
0x7f: {  	_ =	shalt  }
0x80: {  	_ =	shalt  }
0x81: {  	_ =	shalt  }
0x82: {  	_ =	shalt  }
0x83: {  	_ =	shalt  }
0x84: {  	_ =	shalt  }
0x85: {  	_ =	shalt  }
0x86: {  	_ =	shalt  }
0x87: {  	_ =	shalt  }
.Lfunc_end0:
.L_simem_size_0:
called_computation.1_lowered:
.L_overlay_start_0:
0x88: {  	s2 =	sld [smem:$0x3FD9]  }
0x89: {  	s3 =	sld [smem:$0x3FFE];
	_ =	sdelay $0x1  }
0x8a: {  	s1 =	srdreg.scid  }
0x8b: {  	s0 =	sand.u32 $0x1, s1  }
0x8c: {  	s17 =	sshll.u32 s0, $0xA;
	s2 =	sadd.s32 s3, s2  }
0x8d: {  	s2 =	sadd.s32 s2, s17  }
0x8e: {  	[smem:$0x3FC0] =	sst s2  }
0x8f: {  	_ = 	snop  }
0x90: {  	s2 =	sld [smem:$0x3FD0];
	(tm) =	ssettm $0x1  }
0x91: {  	s18 =	sld [smem:$0x3FFB];
	_ =	sdelay $0x3  }
0x92: {  	_ =	strace s18  }
0x93: {  	s3 =	sld [smem:$0x3FFC];
	_ =	sdelay $0x3  }
0x94: {  	_ =	strace s3  }
0x95: {  	s3 =	sld [smem:$0x3FFD];
	_ =	sdelay $0x3  }
0x96: {  	_ =	strace s3  }
0x97: {  	_ =	strace $0x8FFFFFFF  }
0x98: {  	s19 =	sld [smem:$0x3FDB];
	_ =	sdelay $0x1  }
0x99: {  	s4 =	simm.s32 $_scs_section_size  }
0x9a: {  	s5 =	simm.s32 $_size__tile_overlayer_lowered;
	s6 =	simm.s32 $_tile_overlayer_lowered  }
0x9b: {  	s22 =	simm.s32 $0x1BFF;
	s21 =	sshll.u32 s6, $0x1;
	s3 =	sadd.s32 s4, s19  }
0x9c: {  	s7 =	simm.s32 $0x0;
	s20 =	sshll.u32 s5, $0x1;
	s5 =	sadd.s32 s21, s3  }
0x9d: {  	[timem:s7], [sflag:s22] =	dma.local [hbm:s5], s20  }
0x9e: {  	_ =	swait.ge [sflag:s22], s20  }
0x9f: {  	s4 =	ssub.s32 $0x0, s20;
	[sflag:s22] =	ssyncset.done $0x0  }
0xa0: {  	[sflag:s22] =	ssyncadd.s32 s4;
	_ =	sdelay $0x1  }
0xa1: {  	s23 =	simm.s32 $0x1B8B  }
0xa2: {  	_ =	swait.ge [sflag:s23], $0x1  }
0xa3: {  	[sflag:s23] =	ssyncset.done $0x0  }
0xa4: {  	s25 =	simm.s32 $0x1B8E;
	s24 =	sld [smem:$0x3FFE];
	[sflag:s23] =	ssyncadd.s32 $0xFFFFFFFF  }
0xa5: {  	s26 =	simm.s32 $execute0_lowered;
	[smem:$0x3FD2] =	sst s25  }
0xa6: {  	s5 =	sshll.u32 s26, $0x1;
	_ =	strace $0x80000049;
	[dreg:$0x1] =	wrdreg $0xFFFFFFFF  }
0xa7: {  	s28 =	simm.s32 $_size_execute0_lowered;
	s3 =	sadd.s32 s3, s5;
	[dreg:$0x0] =	wrdreg $0x0  }
0xa8: {  	s5 =	sshll.u32 s28, $0x1;
	[dreg:$0x2] =	wrdreg s3  }
0xa9: {  	[dreg:$0x3] =	wrdreg s5  }
0xaa: {  	[dreg:$0x4] =	wrdreg $0xC0  }
0xab: {  	_ =	task [dreg:s7], $0x5FFFF  }
0xac: {  	[dreg:$0x1] =	wrdreg $0xFFFFFFFF  }
0xad: {  	[dreg:$0x0] =	wrdreg $0x60  }
0xae: {  	[dreg:$0x2] =	wrdreg s24  }
0xaf: {  	[dreg:$0x3] =	wrdreg s2  }
0xb0: {  	[dreg:$0x4] =	wrdreg $0xC1C00  }
0xb1: {  	[dreg:$0x5] =	wrdreg $0x9  }
0xb2: {  	_ =	task.clear_ibuf [dreg:s7], $0x6FFFF;
	_ =	strace $0x90000049  }
0xb3: {  	s29 =	simm.s32 $0x9;
	_ =	strace $0x8000004B  }
0xb4: {  	_ =	swait.ge [sflag:s29], $0x1  }
0xb5: {  	[sflag:s29] =	ssyncadd.s32 $0xFFFFFFFF  }
0xb6: {  	_ =	strace $0x9000004B  }
0xb7: {  	_ =	sfence  }
0xb8: {  	s30 =	sld [smem:$0x0];
	_ =	sdelay $0x2  }
0xb9: {  	s31 =	sshll.u32 s1, $0xD;
	s1 =	sshrl.u32 s1, $0x2  }
0xba: {  	s3 =	sand.u32 $0x4000, s31;
	s1 =	sadd.s32 s1, s30  }
0xbb: {  	s0 =	sor.u32 s3, s0;
	s1 =	sshll.u32 s1, $0x11  }
0xbc: {  	s0 =	sor.u32 s1, s0  }
0xbd: {  	s0 =	sadd.s32 $0x8F2B, s0  }
0xbe: {  	[sflag:s0] =	ssyncadd.remote.s32 $0x1  }
0xbf: {  	_ =	sfence.sel $0xFFFF  }
0xc0: {  	[dreg:$0x0] =	wrdreg $0xFFFFFFFF;
	(pc) =	sbr.abs _section_cstart, $3  }
0xc1: {  	[dreg:$0x1] =	wrdreg $0xFFFFFFFF  }
0xc2: {  	_ =	task.clear_ibuf [dreg:s7], $0x2FFFF;
	_ =	strace $0x9FFFFFFF  }
0xc3: {  	(tm) =	ssettm $0x7FFFFFFF  }
tec
execute0_lowered:
.L_overlay_start_1:
0x0: {  	(tag) =	ssettag $0x1  }
0x1: {  	s6 =	rddreg [dreg:$0x0]  }
0x2: {  	s0 =	srdreg.scid;
	s2 =	rddreg [dreg:$0x1]  }
0x3: {  	s3 =	rddreg [dreg:$0x2];
	s4 =	simm.s32 $0x0;
	s14 =	simm.s32 $0x2  }
0x4: {  	s15 =	simm.s32 $0x28A0;
	s16 =	simm.s32 $0x8340;
	s17 =	simm.s32 $0x64  }
0x5: {  	s18 =	simm.s32 $0x5140;
	s5 =	sand.u32 $0x1, s0;
	s0 =	stileid.u32  }
0x6: {  	s19 =	simm.s32 $0x1;
	s22 =	simm.s32 $0x0;
	s8 =	smul.u32 $0x13880, s0  }
0x7: {  	[smem:$0x7FF] =	sst s4;
	s1 =	sshll.u32 s5, $0x4;
	s9 =	smul.u32 $0x138800, s5  }
0x8: {  	s10 =	smul.u32 $0x4E200, s0;
	s5 =	ssub.s32 $0x2, s5;
	s20 =	sshll.u32 s0, $0x6  }
0x9: {  	s1 =	sor.u32 s0, s1;
	s30 =	sshrl.u32 s5, $0x1;
	s20 =	sor.u32 $0x1C02, s20  }
0xa: {  	s7 =	smul.u32 $0x28A0, s1;
	s1 =	rddreg [dreg:$0x3];
	_ =	strace $0x8000004A  }
0xb: {  	s9 =	sadd.s32 s8, s9;
	s31 =	sshrl.u32 s10, $0x2;
	s13 =	ssub.s32 s5, s30  }
0xc: {  	s9 =	sshrl.u32 s9, $0x3;
	s11 =	sadd.s32 s31, s3;
	s13 =	smax.u32 s13, $0x1  }
0xd: {  	s7 =	sshrl.u32 s7, $0x3;
	s12 =	sadd.s32 s9, s6;
	s9 =	sadd.s32 $0x7D00, s11  }
0xe: {  	s10 =	sadd.s32 $0xBB80, s11;
	s7 =	sadd.s32 s7, s6;
	s12 =	sadd.s32 $0x21800, s12  }
0xf: {  	s5 =	sadd.s32 $0xD200, s7;
	s6 =	sadd.s32 $0x17480, s7;
	s7 =	sadd.s32 s8, s3  }
0x10: {  	v0 =	vimm.f32 $0.0e+00;
	s8 =	sadd.s32 $0x3E80, s11;
	s11 =	sadd.s32 $0xFA00, s11;
	s21 =	sshrl.u32 s7, $0x3  }
.LBB2_1:
0x11: {  	[tilespmem:s4], [sflag:$0x2] =	stream.linear.gather [hbm4b:s5+s4], $0x28A0, $0x38;
	[tilespmem:$0x1FA40] =	vst v63  }
0x12: {  	_ =	swait.ge [sflag:s14], $0x28A0  }
0x13: {  	[sflag:s14] =	ssyncset.done $0x0  }
0x14: {  	[sflag:s14] =	ssyncadd.s32 $0xFFFFD760  }
0x15: {  	[tilespmem:s15], [sflag:$0x2] =	stream.linear.gather [hbm4b:s6+s4], $0x28A0, $0x38;
	[tilespmem:$0x1FA40] =	vst v63  }
0x16: {  	_ =	swait.ge [sflag:s14], $0x28A0  }
0x17: {  	[sflag:s14] =	ssyncset.done $0x0  }
0x18: {  	s23 =	simm.s32 $0x0;
	s24 =	simm.s32 $0x200;
	[sflag:s14] =	ssyncadd.s32 $0xFFFFD760  }
.LBB2_2:
0x19: {  	p0 =	sne.s32 s24, $0xF800;
	[tilespmem:s23+$0x83B0] =	vst v0  }
0x1a: {  	[tilespmem:s23+$0x8340] =	vst v0  }
0x1b: {  	[tilespmem:s23+$0x8350] =	vst v0  }
.Ltmp0:
0x1c: {  	[tilespmem:s23+$0x8360] =	vst v0;
	(pc) =	sbr.rel @p0 .LBB2_2-.Ltmp0, $4  }
0x1d: {  	[tilespmem:s23+$0x8370] =	vst v0  }
0x1e: {  	[tilespmem:s23+$0x8380] =	vst v0  }
0x1f: {  	[tilespmem:s23+$0x8390] =	vst v0  }
0x20: {  	[tilespmem:s23+$0x83A0] =	vst v0;
	s23 =	sshra.s32 s24, $0x2;
	s24 =	sadd.s32 $0x200, s24  }
0x21: {  	[tilespmem:s23+$0x83B0] =	vst v0  }
0x22: {  	[tilespmem:s23+$0x8340] =	vst v0  }
0x23: {  	[tilespmem:s23+$0x8350] =	vst v0  }
0x24: {  	[tilespmem:s23+$0x8360] =	vst v0  }
0x25: {  	[tilespmem:s23+$0x8370] =	vst v0  }
0x26: {  	[tilespmem:s23+$0x8380] =	vst v0  }
0x27: {  	[tilespmem:s23+$0x8390] =	vst v0  }
0x28: {  	[tilespmem:s23+$0x83A0] =	vst v0  }
0x29: {  	[spmem:s7] =	stream.linear.scatter [tilespmem:s16], [sflag:$0x2], $0x3E80, $0x38;
	[tilespmem:$0x1FA40] =	vst v63  }
0x2a: {  	_ =	swait.ge [sflag:s14], $0x3E80  }
0x2b: {  	[sflag:s14] =	ssyncset.done $0x0  }
0x2c: {  	[sflag:s14] =	ssyncadd.s32 $0xFFFFC180  }
0x2d: {  	[spmem:s8] =	stream.linear.scatter [tilespmem:s16], [sflag:$0x2], $0x3E80, $0x38;
	[tilespmem:$0x1FA40] =	vst v63  }
0x2e: {  	_ =	swait.ge [sflag:s14], $0x3E80  }
0x2f: {  	[sflag:s14] =	ssyncset.done $0x0  }
0x30: {  	[sflag:s14] =	ssyncadd.s32 $0xFFFFC180  }
0x31: {  	[spmem:s9] =	stream.linear.scatter [tilespmem:s16], [sflag:$0x2], $0x3E80, $0x38;
	[tilespmem:$0x1FA40] =	vst v63  }
0x32: {  	_ =	swait.ge [sflag:s14], $0x3E80  }
0x33: {  	[sflag:s14] =	ssyncset.done $0x0  }
0x34: {  	[sflag:s14] =	ssyncadd.s32 $0xFFFFC180  }
0x35: {  	[spmem:s10] =	stream.linear.scatter [tilespmem:s16], [sflag:$0x2], $0x3E80, $0x38;
	[tilespmem:$0x1FA40] =	vst v63  }
0x36: {  	_ =	swait.ge [sflag:s14], $0x3E80  }
0x37: {  	[sflag:s14] =	ssyncset.done $0x0  }
0x38: {  	[sflag:s14] =	ssyncadd.s32 $0xFFFFC180  }
0x39: {  	[spmem:s11] =	stream.linear.scatter [tilespmem:s16], [sflag:$0x2], $0x3E80, $0x38;
	[tilespmem:$0x1FA40] =	vst v63  }
0x3a: {  	_ =	swait.ge [sflag:s14], $0x3E80  }
0x3b: {  	[sflag:s14] =	ssyncset.done $0x0  }
0x3c: {  	[sflag:s14] =	ssyncadd.s32 $0xFFFFC180  }
0x3d: {  	s30 =	simm.s32 $0x0;
	[bflag:$0x0] =	sbarrier.arrive $0xFFFF  }
0x3e: {  	[tilespmem:s18], [sflag:$0x1] =	stream.indirect.gather [hbm4b:s2+s17], $0x80, s30, s17, $0xb8;
	[tilespmem:$0x1FA40] =	vst v63  }
0x3f: {  	_ =	swait.ge [sflag:s19], $0x3200  }
0x40: {  	[sflag:s19] =	ssyncset.done $0x0  }
0x41: {  	s31 =	simm.s32 $0x28A0;
	[sflag:s19] =	ssyncadd.s32 $0xFFFFCE00  }
0x42: {  	[spmem:s3] =	stream.indirect.scatter.add.f32 [tilespmem:s18], [sflag:$0x2], $0x80, s31, s17, $0xb8;
	[tilespmem:$0x1FA40] =	vst v63  }
0x43: {  	_ =	swait.ge [sflag:s14], $0x3200  }
0x44: {  	s23 =	simm.s32 $0x1A0;
	s24 =	simm.s32 $0x340;
	[sflag:s14] =	ssyncset.done $0x0  }
.LBB2_4:
0x45: {  	s25 =	sshra.s32 s23, $0x2  }
0x46: {  	[sflag:s14] =	ssyncadd.s32 $0xFFFFCE00;
	s23 =	smov.u32 s24;
	s26 =	sadd.s32 $0x1A0, s24  }
0x47: {  	[tilespmem:s18], [sflag:$0x1] =	stream.indirect.gather [hbm4b:s2+s17], $0x80, s25, s17, $0xb8;
	[tilespmem:$0x1FA40] =	vst v63  }
0x48: {  	p0 =	sne.s32 s24, $0xA0E0;
	_ =	swait.ge [sflag:s19], $0x3200  }
.Ltmp1:
0x49: {  	[sflag:s19] =	ssyncset.done $0x0;
	(pc) =	sbr.rel @p0 .LBB2_4-.Ltmp1, $4  }
0x4a: {  	s24 =	sadd.s32 $0x28A0, s25;
	[sflag:s19] =	ssyncadd.s32 $0xFFFFCE00  }
0x4b: {  	[spmem:s3] =	stream.indirect.scatter.add.f32 [tilespmem:s18], [sflag:$0x2], $0x80, s24, s17, $0xb8;
	[tilespmem:$0x1FA40] =	vst v63  }
0x4c: {  	_ =	swait.ge [sflag:s14], $0x3200  }
0x4d: {  	s24 =	smov.u32 s26;
	[sflag:s14] =	ssyncset.done $0x0  }
0x4e: {  	s23 =	sshra.s32 s23, $0x2;
	[sflag:s14] =	ssyncadd.s32 $0xFFFFCE00  }
0x4f: {  	[tilespmem:s18], [sflag:$0x1] =	stream.indirect.gather [hbm4b:s2+s17], $0x80, s23, s17, $0xb8;
	[tilespmem:$0x1FA40] =	vst v63  }
0x50: {  	_ =	swait.ge [sflag:s19], $0x3200  }
0x51: {  	[sflag:s19] =	ssyncset.done $0x0  }
0x52: {  	s23 =	sadd.s32 $0x28A0, s23;
	[sflag:s19] =	ssyncadd.s32 $0xFFFFCE00  }
0x53: {  	[spmem:s3] =	stream.indirect.scatter.add.f32 [tilespmem:s18], [sflag:$0x2], $0x80, s23, s17, $0xb8;
	[tilespmem:$0x1FA40] =	vst v63  }
0x54: {  	_ =	swait.ge [sflag:s14], $0x3200  }
0x55: {  	s22 =	sadd.s32 $0x1, s22;
	[sflag:s14] =	ssyncset.done $0x0  }
0x56: {  	p0 =	sne.s32 s22, s13;
	[sflag:s14] =	ssyncadd.s32 $0xFFFFCE00  }
.Ltmp2:
0x57: {  	[bflag:$0x0] =	sbarrier.arrive $0xFFFF;
	(pc) =	sbr.rel @p0 .LBB2_1-.Ltmp2, $4  }
0x58: {  	[hbm:s12], [sflag:s20] =	dma.local [spmem:s21], $0x2710  }
0x59: {  	_ =	swait.ge [sflag:s14], $0x2710  }
0x5a: {  	[sflag:s14] =	ssyncset.done $0x0  }
0x5b: {  	[sflag:s14] =	ssyncadd.s32 $0xFFFFD8F0  }
0x5c: {  	_ =	sfence.sel $0x180000  }
0x5d: {  	[bflag:$0x0] =	sbarrier.arrive $0xFFFF  }
0x5e: {  	p0 =	sne.s32 s0, $0x0;
	_ =	strace $0x9000004A  }
0x5f: {  	s0 =	sadd.s32 @!p0 $0x100000, s1;
	[bflag:$0x2] =	sbarrier.arrive $0xFFFF  }
0x60: {  	[sflag:s0] =	ssyncadd.tile.s32 @!p0 $0x1;
	_ =	shalt  }
.Lfunc_end2:
_tile_overlayer_lowered:
.L_overlay_start_2:
0x61: {  	(tag) =	ssettag $0x2  }
0x62: {  	s0 =	rddreg [dreg:$0x0];
	s2 =	stileid.u32  }
0x63: {  	s1 =	rddreg [dreg:$0x1];
	p0 =	sne.s32 s2, $0x0  }
0x64: {  	s3 =	rddreg [dreg:$0x2];
	[bflag:$0x3] =	sbarrier.arrive $0xFFFF;
	s2 =	simm.s32 @!p0 $0x1C02  }
0x65: {  	[timem:s3], [sflag:s2] =	dma.local @!p0 [hbm:s0], s1  }
0x66: {  	s0 =	simm.s32 @!p0 $0x2  }
0x67: {  	_ =	swait.ge @!p0 [sflag:s0], s1  }
0x68: {  	s1 =	ssub.s32 @!p0 $0x0, s1;
	[sflag:s0] =	ssyncset.done @!p0 $0x0  }
0x69: {  	[sflag:s0] =	ssyncadd.s32 @!p0 s1  }
0x6a: {  	[bflag:$0x3] =	sbarrier.arrive $0xFFFF  }
0x6b: {  	_ =	shalt  }

// kernel: kernel.15.cloned.1.call-start
scs
__scs_entry_jumppad:
0x0: {  	(pc) =	sbr.rel $0x88, $3  }
0x1: {  	(tag) =	ssettag $0x0;
	lr =	simm.s32 $0x1  }
0x2: {  	[smem:$0x3F99] =	sst lr;
	_ =	strace $0xD0000000  }
0x3: {  	_ = 	snop  }
0x4: {  	_ = 	snop  }
0x5: {  	_ = 	snop  }
0x6: {  	_ = 	snop  }
0x7: {  	_ = 	snop  }
__scs_overlays_trampoline_lowered:
0x8: {  	[smem:$0x3FA8] =	sst s0  }
0x9: {  	[smem:$0x3FA9] =	sst s1  }
0xa: {  	[smem:$0x3FAA] =	sst s2  }
0xb: {  	[smem:$0x3FAB] =	sst s3  }
0xc: {  	[smem:$0x3FAC] =	sst s4  }
0xd: {  	[smem:$0x3FAD] =	sst s5  }
0xe: {  	[smem:$0x3FAE] =	sst s6  }
0xf: {  	[smem:$0x3FAF] =	sst s7  }
0x10: {  	[smem:$0x3FB0] =	sst s8  }
0x11: {  	[smem:$0x3FB1] =	sst s9;
	s0 =	simm.s32 @!p0 $0x0  }
0x12: {  	s1 =	sld [smem:$0x3F97];
	s0 =	simm.s32 @p0 $0x1  }
0x13: {  	[smem:$0x3FB2] =	sst s0;
	s0 =	simm.s32 @!p1 $0x0  }
0x14: {  	s2 =	sld [smem:$0x3F96];
	s0 =	simm.s32 @p1 $0x1  }
0x15: {  	[smem:$0x3FB3] =	sst s0;
	s0 =	simm.s32 @!p2 $0x0  }
0x16: {  	s3 =	sld [smem:$0x3FDB];
	s0 =	simm.s32 @p2 $0x1  }
0x17: {  	s4 =	simm.s32 $0x1BF5;
	[smem:$0x3FB5] =	sst s0  }
0x18: {  	s0 =	sld [smem:$0x3F98];
	_ =	swait.ge [sflag:s4], $0x0  }
0x19: {  	s7 =	sld [smem:$0x3F99]  }
0x1a: {  	s8 =	sadd.s32 $0xFFFFE003, lr  }
0x1b: {  	s9 =	sadd.s32 $0xFFFFFEF7, lr;
	s5 =	simm.s32 $0xFFFFFFFF;
	p2 =	slt.u32 s8, $0xFFFFF086  }
0x1c: {  	p1 =	slt.u32 s9, $0xF7A;
	s5 =	simm.s32 @!p2 $0x0  }
0x1d: {  	s5 =	simm.s32 @p1 $0x1;
	p0 =	seq.s32 s7, s2  }
0x1e: {  	s7 =	smul.u32 @!p0 $0xF7A, s2;
	p2 =	seq.s32 @!p0 s5, $0x0  }
0x1f: {  	s9 =	smul.u32 $0xF7A, s1;
	s8 =	simm.s32 @!p0 $0x1BF5;
	p2 =	por !p2, p0  }
0x20: {  	[sflag:s8] =	ssyncset.s32 @!p0 $0xFFFFF086;
	s6 =	sadd.s32 @!p0 s3, s7;
	s7 =	simm.s32 @!p0 $0x108  }
0x21: {  	s3 =	sadd.s32 s3, s9;
	s6 =	sadd.s32 @!p0 $0x88, s6;
	s7 =	simm.s32 @p2 $0x1082  }
0x22: {  	[simem:s7], [sflag:s8] =	dma.local @!p0 [hbm:s6], $0xF7A  }
0x23: {  	s9 =	sor.u32 $0xD0000000, s2;
	s6 =	simm.s32 $0x108;
	_ =	swait.ge @!p0 [sflag:s8], $0x0  }
0x24: {  	s3 =	sadd.s32 $0x88, s3;
	s6 =	simm.s32 @!p1 $0x1082;
	[sflag:s4] =	ssyncset.s32 $0xFFFFF086  }
0x25: {  	[simem:s6], [sflag:s4] =	dma.local [hbm:s3], $0xF7A  }
0x26: {  	[smem:$0x3F99] =	sst s1;
	(tag) =	ssettag s2;
	_ =	strace s9  }
0x27: {  	s1 =	sld [smem:$0x3FA9]  }
0x28: {  	s2 =	sld [smem:$0x3FAA]  }
0x29: {  	s4 =	sld [smem:$0x3FAC]  }
0x2a: {  	p0 =	seq.s32 s5, $0x0;
	s5 =	sld [smem:$0x3FAD]  }
0x2b: {  	s6 =	sld [smem:$0x3FAE]  }
0x2c: {  	s7 =	sld [smem:$0x3FAF]  }
0x2d: {  	s3 =	simm.s32 $0x108;
	s8 =	sld [smem:$0x3FB0]  }
0x2e: {  	s3 =	simm.s32 @!p0 $0x1082;
	s9 =	sld [smem:$0x3FB1]  }
0x2f: {  	lr =	sadd.s32 s0, s3;
	s0 =	sld [smem:$0x3FA8]  }
0x30: {  	s3 =	sld [smem:$0x3FAB]  }
0x31: {  	[smem:$0x3FB4] =	sst s10  }
0x32: {  	s10 =	sld [smem:$0x3FB2];
	_ =	sdelay $0x3  }
0x33: {  	p0 =	seq.s32 s10, $0x1;
	s10 =	sld [smem:$0x3FB4];
	_ =	sdelay $0x3  }
0x34: {  	[smem:$0x3FB4] =	sst s10  }
0x35: {  	s10 =	sld [smem:$0x3FB3];
	_ =	sdelay $0x3  }
0x36: {  	p1 =	seq.s32 s10, $0x1;
	s10 =	sld [smem:$0x3FB4];
	_ =	sdelay $0x3  }
0x37: {  	[smem:$0x3FB4] =	sst s10  }
0x38: {  	s10 =	sld [smem:$0x3FB5]  }
0x39: {  	_ = 	snop;
	(pc) =	sbr.ind lr, $3  }
0x3a: {  	_ = 	snop  }
0x3b: {  	_ = 	snop  }
0x3c: {  	p2 =	seq.s32 s10, $0x1;
	s10 =	sld [smem:$0x3FB4]  }
0x3d: {  	_ =	shalt  }
0x3e: {  	_ =	shalt  }
0x3f: {  	_ =	shalt  }
0x40: {  	_ =	shalt  }
0x41: {  	_ =	shalt  }
0x42: {  	_ =	shalt  }
0x43: {  	_ =	shalt  }
0x44: {  	_ =	shalt  }
0x45: {  	_ =	shalt  }
0x46: {  	_ =	shalt  }
0x47: {  	_ =	shalt  }
0x48: {  	_ =	shalt  }
0x49: {  	_ =	shalt  }
0x4a: {  	_ =	shalt  }
0x4b: {  	_ =	shalt  }
0x4c: {  	_ =	shalt  }
0x4d: {  	_ =	shalt  }
0x4e: {  	_ =	shalt  }
0x4f: {  	_ =	shalt  }
0x50: {  	_ =	shalt  }
0x51: {  	_ =	shalt  }
0x52: {  	_ =	shalt  }
0x53: {  	_ =	shalt  }
0x54: {  	_ =	shalt  }
0x55: {  	_ =	shalt  }
0x56: {  	_ =	shalt  }
0x57: {  	_ =	shalt  }
0x58: {  	_ =	shalt  }
0x59: {  	_ =	shalt  }
0x5a: {  	_ =	shalt  }
0x5b: {  	_ =	shalt  }
0x5c: {  	_ =	shalt  }
0x5d: {  	_ =	shalt  }
0x5e: {  	_ =	shalt  }
0x5f: {  	_ =	shalt  }
0x60: {  	_ =	shalt  }
0x61: {  	_ =	shalt  }
0x62: {  	_ =	shalt  }
0x63: {  	_ =	shalt  }
0x64: {  	_ =	shalt  }
0x65: {  	_ =	shalt  }
0x66: {  	_ =	shalt  }
0x67: {  	_ =	shalt  }
0x68: {  	_ =	shalt  }
0x69: {  	_ =	shalt  }
0x6a: {  	_ =	shalt  }
0x6b: {  	_ =	shalt  }
0x6c: {  	_ =	shalt  }
0x6d: {  	_ =	shalt  }
0x6e: {  	_ =	shalt  }
0x6f: {  	_ =	shalt  }
0x70: {  	_ =	shalt  }
0x71: {  	_ =	shalt  }
0x72: {  	_ =	shalt  }
0x73: {  	_ =	shalt  }
0x74: {  	_ =	shalt  }
0x75: {  	_ =	shalt  }
0x76: {  	_ =	shalt  }
0x77: {  	_ =	shalt  }
0x78: {  	_ =	shalt  }
0x79: {  	_ =	shalt  }
0x7a: {  	_ =	shalt  }
0x7b: {  	_ =	shalt  }
0x7c: {  	_ =	shalt  }
0x7d: {  	_ =	shalt  }
0x7e: {  	_ =	shalt  }
0x7f: {  	_ =	shalt  }
0x80: {  	_ =	shalt  }
0x81: {  	_ =	shalt  }
0x82: {  	_ =	shalt  }
0x83: {  	_ =	shalt  }
0x84: {  	_ =	shalt  }
0x85: {  	_ =	shalt  }
0x86: {  	_ =	shalt  }
0x87: {  	_ =	shalt  }
.Lfunc_end0:
.L_simem_size_0:
called_computation.2_lowered:
.L_overlay_start_0:
0x88: {  	s2 =	sld [smem:$0x3FD9]  }
0x89: {  	s3 =	sld [smem:$0x3FFE];
	_ =	sdelay $0x1  }
0x8a: {  	s1 =	srdreg.scid  }
0x8b: {  	s0 =	sand.u32 $0x1, s1  }
0x8c: {  	s17 =	sshll.u32 s0, $0xA;
	s2 =	sadd.s32 s3, s2  }
0x8d: {  	s2 =	sadd.s32 s2, s17  }
0x8e: {  	[smem:$0x3FC0] =	sst s2  }
0x8f: {  	_ = 	snop  }
0x90: {  	s2 =	sld [smem:$0x3FD0];
	(tm) =	ssettm $0x1  }
0x91: {  	s18 =	sld [smem:$0x3FFB];
	_ =	sdelay $0x3  }
0x92: {  	_ =	strace s18  }
0x93: {  	s3 =	sld [smem:$0x3FFC];
	_ =	sdelay $0x3  }
0x94: {  	_ =	strace s3  }
0x95: {  	s3 =	sld [smem:$0x3FFD];
	_ =	sdelay $0x3  }
0x96: {  	_ =	strace s3  }
0x97: {  	_ =	strace $0x8FFFFFFF  }
0x98: {  	s19 =	sld [smem:$0x3FDB];
	_ =	sdelay $0x1  }
0x99: {  	s4 =	simm.s32 $_scs_section_size  }
0x9a: {  	s5 =	simm.s32 $_size__tile_overlayer_lowered;
	s6 =	simm.s32 $_tile_overlayer_lowered  }
0x9b: {  	s22 =	simm.s32 $0x1BFF;
	s21 =	sshll.u32 s6, $0x1;
	s3 =	sadd.s32 s4, s19  }
0x9c: {  	s7 =	simm.s32 $0x0;
	s20 =	sshll.u32 s5, $0x1;
	s5 =	sadd.s32 s21, s3  }
0x9d: {  	[timem:s7], [sflag:s22] =	dma.local [hbm:s5], s20  }
0x9e: {  	_ =	swait.ge [sflag:s22], s20  }
0x9f: {  	s4 =	ssub.s32 $0x0, s20;
	[sflag:s22] =	ssyncset.done $0x0  }
0xa0: {  	[sflag:s22] =	ssyncadd.s32 s4;
	_ =	sdelay $0x1  }
0xa1: {  	s23 =	simm.s32 $0x1B8B  }
0xa2: {  	_ =	swait.ge [sflag:s23], $0x1  }
0xa3: {  	[sflag:s23] =	ssyncset.done $0x0  }
0xa4: {  	s25 =	simm.s32 $0x1B8E;
	s24 =	sld [smem:$0x3FFE];
	[sflag:s23] =	ssyncadd.s32 $0xFFFFFFFF  }
0xa5: {  	s26 =	simm.s32 $execute0_lowered;
	[smem:$0x3FD2] =	sst s25  }
0xa6: {  	s5 =	sshll.u32 s26, $0x1;
	_ =	strace $0x8000004C;
	[dreg:$0x1] =	wrdreg $0xFFFFFFFF  }
0xa7: {  	s28 =	simm.s32 $_size_execute0_lowered;
	s3 =	sadd.s32 s3, s5;
	[dreg:$0x0] =	wrdreg $0x0  }
0xa8: {  	s5 =	sshll.u32 s28, $0x1;
	[dreg:$0x2] =	wrdreg s3  }
0xa9: {  	[dreg:$0x3] =	wrdreg s5  }
0xaa: {  	[dreg:$0x4] =	wrdreg $0xC0  }
0xab: {  	_ =	task [dreg:s7], $0x5FFFF  }
0xac: {  	[dreg:$0x1] =	wrdreg $0xFFFFFFFF  }
0xad: {  	[dreg:$0x0] =	wrdreg $0x60  }
0xae: {  	[dreg:$0x2] =	wrdreg s24  }
0xaf: {  	[dreg:$0x3] =	wrdreg s2  }
0xb0: {  	[dreg:$0x4] =	wrdreg $0xC1C00  }
0xb1: {  	[dreg:$0x5] =	wrdreg $0x9  }
0xb2: {  	_ =	task.clear_ibuf [dreg:s7], $0x6FFFF;
	_ =	strace $0x9000004C  }
0xb3: {  	s29 =	simm.s32 $0x9;
	_ =	strace $0x8000004E  }
0xb4: {  	_ =	swait.ge [sflag:s29], $0x1  }
0xb5: {  	[sflag:s29] =	ssyncadd.s32 $0xFFFFFFFF  }
0xb6: {  	_ =	strace $0x9000004E  }
0xb7: {  	_ =	sfence  }
0xb8: {  	s30 =	sld [smem:$0x0];
	_ =	sdelay $0x2  }
0xb9: {  	s31 =	sshll.u32 s1, $0xD;
	s1 =	sshrl.u32 s1, $0x2  }
0xba: {  	s3 =	sand.u32 $0x4000, s31;
	s1 =	sadd.s32 s1, s30  }
0xbb: {  	s0 =	sor.u32 s3, s0;
	s1 =	sshll.u32 s1, $0x11  }
0xbc: {  	s0 =	sor.u32 s1, s0  }
0xbd: {  	s0 =	sadd.s32 $0x8F2B, s0  }
0xbe: {  	[sflag:s0] =	ssyncadd.remote.s32 $0x1  }
0xbf: {  	_ =	sfence.sel $0xFFFF  }
0xc0: {  	[dreg:$0x0] =	wrdreg $0xFFFFFFFF;
	(pc) =	sbr.abs _section_cstart, $3  }
0xc1: {  	[dreg:$0x1] =	wrdreg $0xFFFFFFFF  }
0xc2: {  	_ =	task.clear_ibuf [dreg:s7], $0x2FFFF;
	_ =	strace $0x9FFFFFFF  }
0xc3: {  	(tm) =	ssettm $0x7FFFFFFF  }
tec
execute0_lowered:
.L_overlay_start_1:
0x0: {  	(tag) =	ssettag $0x1  }
0x1: {  	s6 =	rddreg [dreg:$0x0]  }
0x2: {  	s0 =	srdreg.scid;
	s2 =	rddreg [dreg:$0x1]  }
0x3: {  	s3 =	rddreg [dreg:$0x2];
	s4 =	simm.s32 $0x0;
	s14 =	simm.s32 $0x2  }
0x4: {  	s15 =	simm.s32 $0x28A0;
	s16 =	simm.s32 $0x8340;
	s17 =	simm.s32 $0x64  }
0x5: {  	s18 =	simm.s32 $0x5140;
	s5 =	sand.u32 $0x1, s0;
	s0 =	stileid.u32  }
0x6: {  	s19 =	simm.s32 $0x1;
	s22 =	simm.s32 $0x0;
	s8 =	smul.u32 $0x13880, s0  }
0x7: {  	[smem:$0x7FF] =	sst s4;
	s1 =	sshll.u32 s5, $0x4;
	s9 =	smul.u32 $0x138800, s5  }
0x8: {  	s10 =	smul.u32 $0x4E200, s0;
	s5 =	ssub.s32 $0x2, s5;
	s20 =	sshll.u32 s0, $0x6  }
0x9: {  	s1 =	sor.u32 s0, s1;
	s30 =	sshrl.u32 s5, $0x1;
	s20 =	sor.u32 $0x1C02, s20  }
0xa: {  	s7 =	smul.u32 $0x28A0, s1;
	s1 =	rddreg [dreg:$0x3];
	_ =	strace $0x8000004D  }
0xb: {  	s9 =	sadd.s32 s8, s9;
	s31 =	sshrl.u32 s10, $0x2;
	s13 =	ssub.s32 s5, s30  }
0xc: {  	s9 =	sshrl.u32 s9, $0x3;
	s11 =	sadd.s32 s31, s3;
	s13 =	smax.u32 s13, $0x1  }
0xd: {  	s7 =	sshrl.u32 s7, $0x3;
	s12 =	sadd.s32 s9, s6;
	s9 =	sadd.s32 $0x7D00, s11  }
0xe: {  	s10 =	sadd.s32 $0xBB80, s11;
	s7 =	sadd.s32 s7, s6;
	s12 =	sadd.s32 $0x21800, s12  }
0xf: {  	s5 =	sadd.s32 $0xD200, s7;
	s6 =	sadd.s32 $0x17480, s7;
	s7 =	sadd.s32 s8, s3  }
0x10: {  	v0 =	vimm.f32 $0.0e+00;
	s8 =	sadd.s32 $0x3E80, s11;
	s11 =	sadd.s32 $0xFA00, s11;
	s21 =	sshrl.u32 s7, $0x3  }
.LBB2_1:
0x11: {  	[tilespmem:s4], [sflag:$0x2] =	stream.linear.gather [hbm4b:s5+s4], $0x28A0, $0x38;
	[tilespmem:$0x1FA40] =	vst v63  }
0x12: {  	_ =	swait.ge [sflag:s14], $0x28A0  }
0x13: {  	[sflag:s14] =	ssyncset.done $0x0  }
0x14: {  	[sflag:s14] =	ssyncadd.s32 $0xFFFFD760  }
0x15: {  	[tilespmem:s15], [sflag:$0x2] =	stream.linear.gather [hbm4b:s6+s4], $0x28A0, $0x38;
	[tilespmem:$0x1FA40] =	vst v63  }
0x16: {  	_ =	swait.ge [sflag:s14], $0x28A0  }
0x17: {  	[sflag:s14] =	ssyncset.done $0x0  }
0x18: {  	s23 =	simm.s32 $0x0;
	s24 =	simm.s32 $0x200;
	[sflag:s14] =	ssyncadd.s32 $0xFFFFD760  }
.LBB2_2:
0x19: {  	p0 =	sne.s32 s24, $0xF800;
	[tilespmem:s23+$0x83B0] =	vst v0  }
0x1a: {  	[tilespmem:s23+$0x8340] =	vst v0  }
0x1b: {  	[tilespmem:s23+$0x8350] =	vst v0  }
.Ltmp0:
0x1c: {  	[tilespmem:s23+$0x8360] =	vst v0;
	(pc) =	sbr.rel @p0 .LBB2_2-.Ltmp0, $4  }
0x1d: {  	[tilespmem:s23+$0x8370] =	vst v0  }
0x1e: {  	[tilespmem:s23+$0x8380] =	vst v0  }
0x1f: {  	[tilespmem:s23+$0x8390] =	vst v0  }
0x20: {  	[tilespmem:s23+$0x83A0] =	vst v0;
	s23 =	sshra.s32 s24, $0x2;
	s24 =	sadd.s32 $0x200, s24  }
0x21: {  	[tilespmem:s23+$0x83B0] =	vst v0  }
0x22: {  	[tilespmem:s23+$0x8340] =	vst v0  }
0x23: {  	[tilespmem:s23+$0x8350] =	vst v0  }
0x24: {  	[tilespmem:s23+$0x8360] =	vst v0  }
0x25: {  	[tilespmem:s23+$0x8370] =	vst v0  }
0x26: {  	[tilespmem:s23+$0x8380] =	vst v0  }
0x27: {  	[tilespmem:s23+$0x8390] =	vst v0  }
0x28: {  	[tilespmem:s23+$0x83A0] =	vst v0  }
0x29: {  	[spmem:s7] =	stream.linear.scatter [tilespmem:s16], [sflag:$0x2], $0x3E80, $0x38;
	[tilespmem:$0x1FA40] =	vst v63  }
0x2a: {  	_ =	swait.ge [sflag:s14], $0x3E80  }
0x2b: {  	[sflag:s14] =	ssyncset.done $0x0  }
0x2c: {  	[sflag:s14] =	ssyncadd.s32 $0xFFFFC180  }
0x2d: {  	[spmem:s8] =	stream.linear.scatter [tilespmem:s16], [sflag:$0x2], $0x3E80, $0x38;
	[tilespmem:$0x1FA40] =	vst v63  }
0x2e: {  	_ =	swait.ge [sflag:s14], $0x3E80  }
0x2f: {  	[sflag:s14] =	ssyncset.done $0x0  }
0x30: {  	[sflag:s14] =	ssyncadd.s32 $0xFFFFC180  }
0x31: {  	[spmem:s9] =	stream.linear.scatter [tilespmem:s16], [sflag:$0x2], $0x3E80, $0x38;
	[tilespmem:$0x1FA40] =	vst v63  }
0x32: {  	_ =	swait.ge [sflag:s14], $0x3E80  }
0x33: {  	[sflag:s14] =	ssyncset.done $0x0  }
0x34: {  	[sflag:s14] =	ssyncadd.s32 $0xFFFFC180  }
0x35: {  	[spmem:s10] =	stream.linear.scatter [tilespmem:s16], [sflag:$0x2], $0x3E80, $0x38;
	[tilespmem:$0x1FA40] =	vst v63  }
0x36: {  	_ =	swait.ge [sflag:s14], $0x3E80  }
0x37: {  	[sflag:s14] =	ssyncset.done $0x0  }
0x38: {  	[sflag:s14] =	ssyncadd.s32 $0xFFFFC180  }
0x39: {  	[spmem:s11] =	stream.linear.scatter [tilespmem:s16], [sflag:$0x2], $0x3E80, $0x38;
	[tilespmem:$0x1FA40] =	vst v63  }
0x3a: {  	_ =	swait.ge [sflag:s14], $0x3E80  }
0x3b: {  	[sflag:s14] =	ssyncset.done $0x0  }
0x3c: {  	[sflag:s14] =	ssyncadd.s32 $0xFFFFC180  }
0x3d: {  	s30 =	simm.s32 $0x0;
	[bflag:$0x0] =	sbarrier.arrive $0xFFFF  }
0x3e: {  	[tilespmem:s18], [sflag:$0x1] =	stream.indirect.gather [hbm4b:s2+s17], $0x80, s30, s17, $0xb8;
	[tilespmem:$0x1FA40] =	vst v63  }
0x3f: {  	_ =	swait.ge [sflag:s19], $0x3200  }
0x40: {  	[sflag:s19] =	ssyncset.done $0x0  }
0x41: {  	s31 =	simm.s32 $0x28A0;
	[sflag:s19] =	ssyncadd.s32 $0xFFFFCE00  }
0x42: {  	[spmem:s3] =	stream.indirect.scatter.add.f32 [tilespmem:s18], [sflag:$0x2], $0x80, s31, s17, $0xb8;
	[tilespmem:$0x1FA40] =	vst v63  }
0x43: {  	_ =	swait.ge [sflag:s14], $0x3200  }
0x44: {  	s23 =	simm.s32 $0x1A0;
	s24 =	simm.s32 $0x340;
	[sflag:s14] =	ssyncset.done $0x0  }
.LBB2_4:
0x45: {  	s25 =	sshra.s32 s23, $0x2  }
0x46: {  	[sflag:s14] =	ssyncadd.s32 $0xFFFFCE00;
	s23 =	smov.u32 s24;
	s26 =	sadd.s32 $0x1A0, s24  }
0x47: {  	[tilespmem:s18], [sflag:$0x1] =	stream.indirect.gather [hbm4b:s2+s17], $0x80, s25, s17, $0xb8;
	[tilespmem:$0x1FA40] =	vst v63  }
0x48: {  	p0 =	sne.s32 s24, $0xA0E0;
	_ =	swait.ge [sflag:s19], $0x3200  }
.Ltmp1:
0x49: {  	[sflag:s19] =	ssyncset.done $0x0;
	(pc) =	sbr.rel @p0 .LBB2_4-.Ltmp1, $4  }
0x4a: {  	s24 =	sadd.s32 $0x28A0, s25;
	[sflag:s19] =	ssyncadd.s32 $0xFFFFCE00  }
0x4b: {  	[spmem:s3] =	stream.indirect.scatter.add.f32 [tilespmem:s18], [sflag:$0x2], $0x80, s24, s17, $0xb8;
	[tilespmem:$0x1FA40] =	vst v63  }
0x4c: {  	_ =	swait.ge [sflag:s14], $0x3200  }
0x4d: {  	s24 =	smov.u32 s26;
	[sflag:s14] =	ssyncset.done $0x0  }
0x4e: {  	s23 =	sshra.s32 s23, $0x2;
	[sflag:s14] =	ssyncadd.s32 $0xFFFFCE00  }
0x4f: {  	[tilespmem:s18], [sflag:$0x1] =	stream.indirect.gather [hbm4b:s2+s17], $0x80, s23, s17, $0xb8;
	[tilespmem:$0x1FA40] =	vst v63  }
0x50: {  	_ =	swait.ge [sflag:s19], $0x3200  }
0x51: {  	[sflag:s19] =	ssyncset.done $0x0  }
0x52: {  	s23 =	sadd.s32 $0x28A0, s23;
	[sflag:s19] =	ssyncadd.s32 $0xFFFFCE00  }
0x53: {  	[spmem:s3] =	stream.indirect.scatter.add.f32 [tilespmem:s18], [sflag:$0x2], $0x80, s23, s17, $0xb8;
	[tilespmem:$0x1FA40] =	vst v63  }
0x54: {  	_ =	swait.ge [sflag:s14], $0x3200  }
0x55: {  	s22 =	sadd.s32 $0x1, s22;
	[sflag:s14] =	ssyncset.done $0x0  }
0x56: {  	p0 =	sne.s32 s22, s13;
	[sflag:s14] =	ssyncadd.s32 $0xFFFFCE00  }
.Ltmp2:
0x57: {  	[bflag:$0x0] =	sbarrier.arrive $0xFFFF;
	(pc) =	sbr.rel @p0 .LBB2_1-.Ltmp2, $4  }
0x58: {  	[hbm:s12], [sflag:s20] =	dma.local [spmem:s21], $0x2710  }
0x59: {  	_ =	swait.ge [sflag:s14], $0x2710  }
0x5a: {  	[sflag:s14] =	ssyncset.done $0x0  }
0x5b: {  	[sflag:s14] =	ssyncadd.s32 $0xFFFFD8F0  }
0x5c: {  	_ =	sfence.sel $0x180000  }
0x5d: {  	[bflag:$0x0] =	sbarrier.arrive $0xFFFF  }
0x5e: {  	p0 =	sne.s32 s0, $0x0;
	_ =	strace $0x9000004D  }
0x5f: {  	s0 =	sadd.s32 @!p0 $0x100000, s1;
	[bflag:$0x2] =	sbarrier.arrive $0xFFFF  }
0x60: {  	[sflag:s0] =	ssyncadd.tile.s32 @!p0 $0x1;
	_ =	shalt  }
.Lfunc_end2:
_tile_overlayer_lowered:
.L_overlay_start_2:
0x61: {  	(tag) =	ssettag $0x2  }
0x62: {  	s0 =	rddreg [dreg:$0x0];
	s2 =	stileid.u32  }
0x63: {  	s1 =	rddreg [dreg:$0x1];
	p0 =	sne.s32 s2, $0x0  }
0x64: {  	s3 =	rddreg [dreg:$0x2];
	[bflag:$0x3] =	sbarrier.arrive $0xFFFF;
	s2 =	simm.s32 @!p0 $0x1C02  }
0x65: {  	[timem:s3], [sflag:s2] =	dma.local @!p0 [hbm:s0], s1  }
0x66: {  	s0 =	simm.s32 @!p0 $0x2  }
0x67: {  	_ =	swait.ge @!p0 [sflag:s0], s1  }
0x68: {  	s1 =	ssub.s32 @!p0 $0x0, s1;
	[sflag:s0] =	ssyncset.done @!p0 $0x0  }
0x69: {  	[sflag:s0] =	ssyncadd.s32 @!p0 s1  }
0x6a: {  	[bflag:$0x3] =	sbarrier.arrive $0xFFFF  }
0x6b: {  	_ =	shalt  }

// kernel: kernel.9.cloned.1.call-start
scs
__scs_entry_jumppad:
0x0: {  	(pc) =	sbr.rel $0x88, $3  }
0x1: {  	(tag) =	ssettag $0x0;
	lr =	simm.s32 $0x1  }
0x2: {  	[smem:$0x3F99] =	sst lr;
	_ =	strace $0xD0000000  }
0x3: {  	_ = 	snop  }
0x4: {  	_ = 	snop  }
0x5: {  	_ = 	snop  }
0x6: {  	_ = 	snop  }
0x7: {  	_ = 	snop  }
__scs_overlays_trampoline_lowered:
0x8: {  	[smem:$0x3FA8] =	sst s0  }
0x9: {  	[smem:$0x3FA9] =	sst s1  }
0xa: {  	[smem:$0x3FAA] =	sst s2  }
0xb: {  	[smem:$0x3FAB] =	sst s3  }
0xc: {  	[smem:$0x3FAC] =	sst s4  }
0xd: {  	[smem:$0x3FAD] =	sst s5  }
0xe: {  	[smem:$0x3FAE] =	sst s6  }
0xf: {  	[smem:$0x3FAF] =	sst s7  }
0x10: {  	[smem:$0x3FB0] =	sst s8  }
0x11: {  	[smem:$0x3FB1] =	sst s9;
	s0 =	simm.s32 @!p0 $0x0  }
0x12: {  	s1 =	sld [smem:$0x3F97];
	s0 =	simm.s32 @p0 $0x1  }
0x13: {  	[smem:$0x3FB2] =	sst s0;
	s0 =	simm.s32 @!p1 $0x0  }
0x14: {  	s2 =	sld [smem:$0x3F96];
	s0 =	simm.s32 @p1 $0x1  }
0x15: {  	[smem:$0x3FB3] =	sst s0;
	s0 =	simm.s32 @!p2 $0x0  }
0x16: {  	s3 =	sld [smem:$0x3FDB];
	s0 =	simm.s32 @p2 $0x1  }
0x17: {  	s4 =	simm.s32 $0x1BF5;
	[smem:$0x3FB5] =	sst s0  }
0x18: {  	s0 =	sld [smem:$0x3F98];
	_ =	swait.ge [sflag:s4], $0x0  }
0x19: {  	s7 =	sld [smem:$0x3F99]  }
0x1a: {  	s8 =	sadd.s32 $0xFFFFE003, lr  }
0x1b: {  	s9 =	sadd.s32 $0xFFFFFEF7, lr;
	s5 =	simm.s32 $0xFFFFFFFF;
	p2 =	slt.u32 s8, $0xFFFFF086  }
0x1c: {  	p1 =	slt.u32 s9, $0xF7A;
	s5 =	simm.s32 @!p2 $0x0  }
0x1d: {  	s5 =	simm.s32 @p1 $0x1;
	p0 =	seq.s32 s7, s2  }
0x1e: {  	s7 =	smul.u32 @!p0 $0xF7A, s2;
	p2 =	seq.s32 @!p0 s5, $0x0  }
0x1f: {  	s9 =	smul.u32 $0xF7A, s1;
	s8 =	simm.s32 @!p0 $0x1BF5;
	p2 =	por !p2, p0  }
0x20: {  	[sflag:s8] =	ssyncset.s32 @!p0 $0xFFFFF086;
	s6 =	sadd.s32 @!p0 s3, s7;
	s7 =	simm.s32 @!p0 $0x108  }
0x21: {  	s3 =	sadd.s32 s3, s9;
	s6 =	sadd.s32 @!p0 $0x88, s6;
	s7 =	simm.s32 @p2 $0x1082  }
0x22: {  	[simem:s7], [sflag:s8] =	dma.local @!p0 [hbm:s6], $0xF7A  }
0x23: {  	s9 =	sor.u32 $0xD0000000, s2;
	s6 =	simm.s32 $0x108;
	_ =	swait.ge @!p0 [sflag:s8], $0x0  }
0x24: {  	s3 =	sadd.s32 $0x88, s3;
	s6 =	simm.s32 @!p1 $0x1082;
	[sflag:s4] =	ssyncset.s32 $0xFFFFF086  }
0x25: {  	[simem:s6], [sflag:s4] =	dma.local [hbm:s3], $0xF7A  }
0x26: {  	[smem:$0x3F99] =	sst s1;
	(tag) =	ssettag s2;
	_ =	strace s9  }
0x27: {  	s1 =	sld [smem:$0x3FA9]  }
0x28: {  	s2 =	sld [smem:$0x3FAA]  }
0x29: {  	s4 =	sld [smem:$0x3FAC]  }
0x2a: {  	p0 =	seq.s32 s5, $0x0;
	s5 =	sld [smem:$0x3FAD]  }
0x2b: {  	s6 =	sld [smem:$0x3FAE]  }
0x2c: {  	s7 =	sld [smem:$0x3FAF]  }
0x2d: {  	s3 =	simm.s32 $0x108;
	s8 =	sld [smem:$0x3FB0]  }
0x2e: {  	s3 =	simm.s32 @!p0 $0x1082;
	s9 =	sld [smem:$0x3FB1]  }
0x2f: {  	lr =	sadd.s32 s0, s3;
	s0 =	sld [smem:$0x3FA8]  }
0x30: {  	s3 =	sld [smem:$0x3FAB]  }
0x31: {  	[smem:$0x3FB4] =	sst s10  }
0x32: {  	s10 =	sld [smem:$0x3FB2];
	_ =	sdelay $0x3  }
0x33: {  	p0 =	seq.s32 s10, $0x1;
	s10 =	sld [smem:$0x3FB4];
	_ =	sdelay $0x3  }
0x34: {  	[smem:$0x3FB4] =	sst s10  }
0x35: {  	s10 =	sld [smem:$0x3FB3];
	_ =	sdelay $0x3  }
0x36: {  	p1 =	seq.s32 s10, $0x1;
	s10 =	sld [smem:$0x3FB4];
	_ =	sdelay $0x3  }
0x37: {  	[smem:$0x3FB4] =	sst s10  }
0x38: {  	s10 =	sld [smem:$0x3FB5]  }
0x39: {  	_ = 	snop;
	(pc) =	sbr.ind lr, $3  }
0x3a: {  	_ = 	snop  }
0x3b: {  	_ = 	snop  }
0x3c: {  	p2 =	seq.s32 s10, $0x1;
	s10 =	sld [smem:$0x3FB4]  }
0x3d: {  	_ =	shalt  }
0x3e: {  	_ =	shalt  }
0x3f: {  	_ =	shalt  }
0x40: {  	_ =	shalt  }
0x41: {  	_ =	shalt  }
0x42: {  	_ =	shalt  }
0x43: {  	_ =	shalt  }
0x44: {  	_ =	shalt  }
0x45: {  	_ =	shalt  }
0x46: {  	_ =	shalt  }
0x47: {  	_ =	shalt  }
0x48: {  	_ =	shalt  }
0x49: {  	_ =	shalt  }
0x4a: {  	_ =	shalt  }
0x4b: {  	_ =	shalt  }
0x4c: {  	_ =	shalt  }
0x4d: {  	_ =	shalt  }
0x4e: {  	_ =	shalt  }
0x4f: {  	_ =	shalt  }
0x50: {  	_ =	shalt  }
0x51: {  	_ =	shalt  }
0x52: {  	_ =	shalt  }
0x53: {  	_ =	shalt  }
0x54: {  	_ =	shalt  }
0x55: {  	_ =	shalt  }
0x56: {  	_ =	shalt  }
0x57: {  	_ =	shalt  }
0x58: {  	_ =	shalt  }
0x59: {  	_ =	shalt  }
0x5a: {  	_ =	shalt  }
0x5b: {  	_ =	shalt  }
0x5c: {  	_ =	shalt  }
0x5d: {  	_ =	shalt  }
0x5e: {  	_ =	shalt  }
0x5f: {  	_ =	shalt  }
0x60: {  	_ =	shalt  }
0x61: {  	_ =	shalt  }
0x62: {  	_ =	shalt  }
0x63: {  	_ =	shalt  }
0x64: {  	_ =	shalt  }
0x65: {  	_ =	shalt  }
0x66: {  	_ =	shalt  }
0x67: {  	_ =	shalt  }
0x68: {  	_ =	shalt  }
0x69: {  	_ =	shalt  }
0x6a: {  	_ =	shalt  }
0x6b: {  	_ =	shalt  }
0x6c: {  	_ =	shalt  }
0x6d: {  	_ =	shalt  }
0x6e: {  	_ =	shalt  }
0x6f: {  	_ =	shalt  }
0x70: {  	_ =	shalt  }
0x71: {  	_ =	shalt  }
0x72: {  	_ =	shalt  }
0x73: {  	_ =	shalt  }
0x74: {  	_ =	shalt  }
0x75: {  	_ =	shalt  }
0x76: {  	_ =	shalt  }
0x77: {  	_ =	shalt  }
0x78: {  	_ =	shalt  }
0x79: {  	_ =	shalt  }
0x7a: {  	_ =	shalt  }
0x7b: {  	_ =	shalt  }
0x7c: {  	_ =	shalt  }
0x7d: {  	_ =	shalt  }
0x7e: {  	_ =	shalt  }
0x7f: {  	_ =	shalt  }
0x80: {  	_ =	shalt  }
0x81: {  	_ =	shalt  }
0x82: {  	_ =	shalt  }
0x83: {  	_ =	shalt  }
0x84: {  	_ =	shalt  }
0x85: {  	_ =	shalt  }
0x86: {  	_ =	shalt  }
0x87: {  	_ =	shalt  }
.Lfunc_end0:
.L_simem_size_0:
called_computation_lowered:
.L_overlay_start_0:
0x88: {  	s2 =	sld [smem:$0x3FD9]  }
0x89: {  	s3 =	sld [smem:$0x3FFE];
	_ =	sdelay $0x1  }
0x8a: {  	s1 =	srdreg.scid  }
0x8b: {  	s0 =	sand.u32 $0x1, s1  }
0x8c: {  	s17 =	sshll.u32 s0, $0xA;
	s2 =	sadd.s32 s3, s2  }
0x8d: {  	s2 =	sadd.s32 s2, s17  }
0x8e: {  	[smem:$0x3FC0] =	sst s2  }
0x8f: {  	_ = 	snop  }
0x90: {  	s2 =	sld [smem:$0x3FD0];
	(tm) =	ssettm $0x1  }
0x91: {  	s18 =	sld [smem:$0x3FFB];
	_ =	sdelay $0x3  }
0x92: {  	_ =	strace s18  }
0x93: {  	s3 =	sld [smem:$0x3FFC];
	_ =	sdelay $0x3  }
0x94: {  	_ =	strace s3  }
0x95: {  	s3 =	sld [smem:$0x3FFD];
	_ =	sdelay $0x3  }
0x96: {  	_ =	strace s3  }
0x97: {  	_ =	strace $0x8FFFFFFF  }
0x98: {  	s19 =	sld [smem:$0x3FDB];
	_ =	sdelay $0x1  }
0x99: {  	s4 =	simm.s32 $_scs_section_size  }
0x9a: {  	s5 =	simm.s32 $_size__tile_overlayer_lowered;
	s6 =	simm.s32 $_tile_overlayer_lowered  }
0x9b: {  	s22 =	simm.s32 $0x1BFF;
	s21 =	sshll.u32 s6, $0x1;
	s3 =	sadd.s32 s4, s19  }
0x9c: {  	s7 =	simm.s32 $0x0;
	s20 =	sshll.u32 s5, $0x1;
	s5 =	sadd.s32 s21, s3  }
0x9d: {  	[timem:s7], [sflag:s22] =	dma.local [hbm:s5], s20  }
0x9e: {  	_ =	swait.ge [sflag:s22], s20  }
0x9f: {  	s4 =	ssub.s32 $0x0, s20;
	[sflag:s22] =	ssyncset.done $0x0  }
0xa0: {  	[sflag:s22] =	ssyncadd.s32 s4;
	_ =	sdelay $0x1  }
0xa1: {  	s23 =	simm.s32 $0x1B8B  }
0xa2: {  	_ =	swait.ge [sflag:s23], $0x1  }
0xa3: {  	[sflag:s23] =	ssyncset.done $0x0  }
0xa4: {  	s25 =	simm.s32 $0x1B8E;
	s24 =	sld [smem:$0x3FFE];
	[sflag:s23] =	ssyncadd.s32 $0xFFFFFFFF  }
0xa5: {  	s26 =	simm.s32 $execute0_lowered;
	[smem:$0x3FD2] =	sst s25  }
0xa6: {  	s5 =	sshll.u32 s26, $0x1;
	_ =	strace $0x80000046;
	[dreg:$0x1] =	wrdreg $0xFFFFFFFF  }
0xa7: {  	s28 =	simm.s32 $_size_execute0_lowered;
	s3 =	sadd.s32 s3, s5;
	[dreg:$0x0] =	wrdreg $0x0  }
0xa8: {  	s5 =	sshll.u32 s28, $0x1;
	[dreg:$0x2] =	wrdreg s3  }
0xa9: {  	[dreg:$0x3] =	wrdreg s5  }
0xaa: {  	[dreg:$0x4] =	wrdreg $0xC0  }
0xab: {  	_ =	task [dreg:s7], $0x5FFFF  }
0xac: {  	[dreg:$0x1] =	wrdreg $0xFFFFFFFF  }
0xad: {  	[dreg:$0x0] =	wrdreg $0x60  }
0xae: {  	[dreg:$0x2] =	wrdreg s2  }
0xaf: {  	[dreg:$0x3] =	wrdreg s24  }
0xb0: {  	[dreg:$0x4] =	wrdreg $0x9  }
0xb1: {  	_ =	task.clear_ibuf [dreg:s7], $0x5FFFF;
	_ =	strace $0x90000046  }
0xb2: {  	s29 =	simm.s32 $0x9;
	_ =	strace $0x80000048  }
0xb3: {  	_ =	swait.ge [sflag:s29], $0x1  }
0xb4: {  	[sflag:s29] =	ssyncadd.s32 $0xFFFFFFFF  }
0xb5: {  	_ =	strace $0x90000048  }
0xb6: {  	_ =	sfence  }
0xb7: {  	s30 =	sld [smem:$0x0];
	_ =	sdelay $0x2  }
0xb8: {  	s31 =	sshll.u32 s1, $0xD;
	s1 =	sshrl.u32 s1, $0x2  }
0xb9: {  	s3 =	sand.u32 $0x4000, s31;
	s1 =	sadd.s32 s1, s30  }
0xba: {  	s0 =	sor.u32 s3, s0;
	s1 =	sshll.u32 s1, $0x11  }
0xbb: {  	s0 =	sor.u32 s1, s0  }
0xbc: {  	s0 =	sadd.s32 $0x8F2B, s0  }
0xbd: {  	[sflag:s0] =	ssyncadd.remote.s32 $0x1  }
0xbe: {  	_ =	sfence.sel $0xFFFF  }
0xbf: {  	[dreg:$0x0] =	wrdreg $0xFFFFFFFF;
	(pc) =	sbr.abs _section_cstart, $3  }
0xc0: {  	[dreg:$0x1] =	wrdreg $0xFFFFFFFF  }
0xc1: {  	_ =	task.clear_ibuf [dreg:s7], $0x2FFFF;
	_ =	strace $0x9FFFFFFF  }
0xc2: {  	(tm) =	ssettm $0x7FFFFFFF  }
0xc3: {  	_ =	shalt  }
tec
execute0_lowered:
.L_overlay_start_1:
0x0: {  	(tag) =	ssettag $0x1  }
0x1: {  	s0 =	srdreg.scid;
	s3 =	rddreg [dreg:$0x0]  }
0x2: {  	s5 =	rddreg [dreg:$0x1];
	s4 =	sand.u32 $0x1, s0  }
0x3: {  	s1 =	stileid.u32;
	s8 =	simm.s32 $0x0;
	s2 =	sshll.u32 s4, $0x4  }
0x4: {  	s4 =	ssub.s32 $0x2, s4;
	s6 =	sor.u32 s1, s2;
	s2 =	simm.s32 $0x0  }
0x5: {  	s7 =	sshrl.u32 s4, $0x1;
	s6 =	smul.u32 $0x4E2, s6;
	[smem:$0x7FF] =	sst s2  }
0x6: {  	s0 =	rddreg [dreg:$0x2];
	s7 =	ssub.s32 s4, s7;
	_ =	strace $0x80000047  }
0x7: {  	s5 =	sadd.s32 s6, s5;
	s3 =	sadd.s32 s3, s6;
	s6 =	simm.s32 $0x1  }
0x8: {  	v0 =	vimm.f32 $0.0e+00;
	v1 =	vimm.f32 $1.000000000e+00;
	s4 =	sadd.s32 $0x3400, s5;
	s5 =	smax.u32 s7, $0x1;
	s7 =	simm.s32 $0x2710  }
.LBB2_1:
0x9: {  	[tilespmem:s2], [sflag:$0x1] =	stream.linear.gather [hbm4b:s3+s2], $0x2710, $0x38;
	[tilespmem:$0x4E20] =	vst v63  }
0xa: {  	_ =	swait.ge [sflag:s6], $0x2710  }
0xb: {  	[sflag:s6] =	ssyncset.done $0x0  }
0xc: {  	s9 =	simm.s32 $0x0;
	[sflag:s6] =	ssyncadd.s32 $0xFFFFD8F0  }
.LBB2_2:
0xd: {  	p0 =	sne.s32 s9, $0x9C00  }
.Ltmp0:
0xe: {  	_ = 	snop;
	(pc) =	sbr.rel @p0 .LBB2_2-.Ltmp0, $3  }
0xf: {  	_ =	sdelay $0x1  }
0x10: {  	s10 =	sshra.s32 s9, $0x2  }
0x11: {  	s9 =	sadd.s32 $0x40, s9;
	[tilespmem:s10+$0x2710] =	vst v0  }
0x12: {  	s10 =	simm.s32 $0x0;
	s9 =	simm.s32 $0x40  }
.LBB2_4:
0x13: {  	p0 =	sne.s32 s9, $0x9C00;
	v2 =	vld [tilespmem:s10+$0x0];
	_ =	sdelay $0x3  }
.Ltmp1:
0x14: {  	(pc) =	sbr.rel @p0 .LBB2_4-.Ltmp1, $2  }
0x15: {  	_ =	sdelay $0x2  }
0x16: {  	s10 =	sshra.s32 s9, $0x2;
	s9 =	sadd.s32 $0x40, s9;
	[tilespmem:v2+s7+$0x0] =	vst.idx.add.f32.msk $0xffff, v1  }
0x17: {  	v2 =	vld [tilespmem:s10+$0x0];
	_ =	sdelay $0x5  }
0x18: {  	s8 =	sadd.s32 $0x1, s8  }
0x19: {  	p0 =	sne.s32 s8, s5  }
.Ltmp2:
0x1a: {  	[tilespmem:v2+s7+$0x0] =	vst.idx.add.f32.msk $0xffff, v1;
	(pc) =	sbr.rel @p0 .LBB2_1-.Ltmp2, $4  }
0x1b: {  	[hbm4b:s4+s2] =	stream.linear.scatter [tilespmem:s7], [sflag:$0x1], $0x2710, $0x38;
	[tilespmem:$0x4E20] =	vst v63  }
0x1c: {  	_ =	swait.ge [sflag:s6], $0x2710  }
0x1d: {  	[sflag:s6] =	ssyncset.done $0x0  }
0x1e: {  	[sflag:s6] =	ssyncadd.s32 $0xFFFFD8F0  }
0x1f: {  	_ =	sfence.sel $0x180000  }
0x20: {  	[bflag:$0x0] =	sbarrier.arrive $0xFFFF  }
0x21: {  	p0 =	sne.s32 s1, $0x0;
	_ =	strace $0x90000047  }
0x22: {  	s0 =	sadd.s32 @!p0 $0x100000, s0;
	[bflag:$0x2] =	sbarrier.arrive $0xFFFF  }
0x23: {  	[sflag:s0] =	ssyncadd.tile.s32 @!p0 $0x1;
	_ =	shalt  }
.Lfunc_end2:
_tile_overlayer_lowered:
.L_overlay_start_2:
0x24: {  	(tag) =	ssettag $0x2  }
0x25: {  	s0 =	rddreg [dreg:$0x0];
	s2 =	stileid.u32  }
0x26: {  	s1 =	rddreg [dreg:$0x1];
	p0 =	sne.s32 s2, $0x0  }
0x27: {  	s3 =	rddreg [dreg:$0x2];
	[bflag:$0x3] =	sbarrier.arrive $0xFFFF;
	s2 =	simm.s32 @!p0 $0x1C01  }
0x28: {  	[timem:s3], [sflag:s2] =	dma.local @!p0 [hbm:s0], s1  }
0x29: {  	s0 =	simm.s32 @!p0 $0x1  }
0x2a: {  	_ =	swait.ge @!p0 [sflag:s0], s1  }
0x2b: {  	s1 =	ssub.s32 @!p0 $0x0, s1;
	[sflag:s0] =	ssyncset.done @!p0 $0x0  }
0x2c: {  	[sflag:s0] =	ssyncadd.s32 @!p0 s1  }
0x2d: {  	[bflag:$0x3] =	sbarrier.arrive $0xFFFF  }
0x2e: {  	_ =	shalt  }

</sc_bundles>
